<compile_context>
chip_gen: v7x
topology: tpu7x:2x2x1
jax: 0.10.2.dev20260603
libtpu: 0.0.44.dev20260713+nightly
codegen_flags: <defaults>
</compile_context>

<pallas_src>
import functools

import jax
import jax.numpy as jnp
from jax import lax
from jax.experimental import pallas as pl
from jax.experimental.pallas import tpu as pltpu
from jax.experimental.pallas import tpu_sc as plsc

EMBED_DIM = 32
MAX_ID = 1000000
CHUNK = 1024
NBUF = 2
N_WORKERS = 32

E_BLK = 16384
N_BLK = (MAX_ID + E_BLK - 1) // E_BLK
N_VIRT = N_BLK * E_BLK
SLICE = E_BLK // 4
SH = SLICE.bit_length() - 1


def _tc_transpose():

    def tk(x_ref, o_ref):
        t = x_ref[...].T
        o_ref[...] = jnp.concatenate(
            [t[SLICE * u : SLICE * (u + 1), :] for u in range(4)], axis=1
        )

    return pl.pallas_call(
        tk,
        grid=(N_BLK,),
        in_specs=[pl.BlockSpec((EMBED_DIM, E_BLK), lambda i: (0, i))],
        out_specs=pl.BlockSpec((E_BLK // 4, 128), lambda i: (i, 0)),
        out_shape=jax.ShapeDtypeStruct(
            (N_VIRT * EMBED_DIM // 128, 128), jnp.float32
        ),
    )


def _gather_kernel(n_total, n_chunks):
    mesh = plsc.VectorSubcoreMesh(core_axis_name="c", subcore_axis_name="s")
    b_per_w = n_chunks * CHUNK

    @functools.partial(
        pl.kernel,
        mesh=mesh,
        out_type=jax.ShapeDtypeStruct((n_total, EMBED_DIM), jnp.float32),
        scratch_types=[
            pltpu.VMEM((b_per_w,), jnp.int32),
            pltpu.VMEM((CHUNK, EMBED_DIM), jnp.float32),
            pltpu.VMEM((CHUNK, EMBED_DIM), jnp.float32),
            pltpu.SemaphoreType.DMA,
            pltpu.SemaphoreType.DMA,
            pltpu.SemaphoreType.DMA,
            pltpu.SemaphoreType.DMA,
        ],
        compiler_params=pltpu.CompilerParams(use_tc_tiling_on_sc=False),
    )
    def k(idx_hbm, table_hbm, out_hbm, idx_v, rows0, rows1, g0, g1, w0, w1):
        wid = lax.axis_index("s") * 2 + lax.axis_index("c")
        base = wid * b_per_w
        rows = (rows0, rows1)
        gsem = (g0, g1)
        wsem = (w0, w1)

        pltpu.sync_copy(idx_hbm.at[pl.ds(base, b_per_w)], idx_v)

        def remap(k, carry):
            v = idx_v[pl.ds(k * 16, 16)]
            idx_v[pl.ds(k * 16, 16)] = (
                (v & ~jnp.int32(E_BLK - 1))
                | ((v & jnp.int32(SLICE - 1)) << 2)
                | ((v & jnp.int32(E_BLK - 1)) >> SH)
            )
            return carry

        lax.fori_loop(0, b_per_w // 16, remap, 0, unroll=8)

        def start_gather(g, b):
            pltpu.async_copy(
                table_hbm.at[idx_v.at[pl.ds(g * CHUNK, CHUNK)]],
                rows[b],
                gsem[b],
            )

        def wait_gather(b):
            pltpu.make_async_copy(
                table_hbm.at[idx_v.at[pl.ds(0, CHUNK)]], rows[b], gsem[b]
            ).wait()

        def start_wb(g, b):
            pltpu.async_copy(
                rows[b], out_hbm.at[pl.ds(base + g * CHUNK, CHUNK)], wsem[b]
            )

        def wait_wb(b):
            pltpu.make_async_copy(
                rows[b], out_hbm.at[pl.ds(0, CHUNK)], wsem[b]
            ).wait()

        for b in range(NBUF):
            start_gather(b, b)

        def body(o, carry):
            for b in range(NBUF):
                g = o * NBUF + b
                wait_gather(b)
                start_wb(g, b)
                wait_wb(b)
                start_gather(g + NBUF, b)
            return carry

        lax.fori_loop(0, n_chunks // NBUF - 1, body, 0)

        for b in range(NBUF):
            wait_gather(b)
            start_wb(n_chunks - NBUF + b, b)
        for b in range(NBUF):
            wait_wb(b)

    return k


def kernel(indices, table):
    batch, hist = indices.shape
    n_total = batch * hist
    n_chunks = n_total // (N_WORKERS * CHUNK)

    tbl_t = jnp.swapaxes(table, 0, 1)
    tbl_rm = _tc_transpose()(tbl_t).reshape(N_VIRT, EMBED_DIM)

    flat_idx = jnp.swapaxes(indices, 0, 1).reshape(n_total).astype(jnp.int32)
    out = _gather_kernel(n_total, n_chunks)(flat_idx, tbl_rm)
    return jnp.swapaxes(out.reshape(hist, batch, EMBED_DIM), 0, 1)

# --- scband reference (transcript-rebuilt; emitter-appended) ---
"""Pipeline reference for scband-representation-82952998355512 (READ-ONLY COPY).

The authoritative reference and input builder live on the scoring server;
editing this copy changes nothing except your own understanding.
"""

import jax, jax.numpy as jnp
import numpy as np

MAX_ID = 1000000
EMBED_DIM = 32
BATCH = 16384
HIST = 20

def setup_inputs(seed: int = 0) -> dict:
    key = jax.random.key(seed)
    k_idx, k_tab = jax.random.split(key)
    indices = jax.random.randint(k_idx, (BATCH, HIST), 0, MAX_ID, dtype=jnp.int64 if jax.config.jax_enable_x64 else jnp.int32)
    table = jax.random.normal(k_tab, (MAX_ID, EMBED_DIM), dtype=jnp.float32)
    return {"indices": indices, "table": table}

def reference(indices, table):
    # PyKEEN Embedding.forward: plain embedding lookup (no normalizer/constrainer/dropout configured)
    # equivalent to torch.nn.Embedding(max_id, embedding_dim)(indices)
    return jnp.take(table, indices, axis=0)

if __name__ == "__main__":
    import jax
    _d = setup_inputs()
    print(jax.jit(kernel)(*tuple(_d.values())))

</pallas_src>

<mosaic_0001>
#map = affine_map<(d0, d1) -> (0)>
#map1 = affine_map<(d0, d1) -> (0, 0)>
module attributes {stable_mosaic.version = 14 : i64} {
  func.func @k(%arg0: i32, %arg1: i32, %arg2: memref<327680xi32, #tpu.memory_space<hbm>>, %arg3: memref<1015808x32xf32, #tpu.memory_space<hbm>>, %arg4: memref<327680x32xf32, #tpu.memory_space<hbm>>, %arg5: memref<10240xi32, #tpu.memory_space<vmem>>, %arg6: memref<1024x32xf32, #tpu.memory_space<vmem>>, %arg7: memref<1024x32xf32, #tpu.memory_space<vmem>>, %arg8: memref<!tpu.dma_semaphore, #tpu.memory_space<semaphore_mem>>, %arg9: memref<!tpu.dma_semaphore, #tpu.memory_space<semaphore_mem>>, %arg10: memref<!tpu.dma_semaphore, #tpu.memory_space<semaphore_mem>>, %arg11: memref<!tpu.dma_semaphore, #tpu.memory_space<semaphore_mem>>) attributes {dimension_semantics = [#tpu.dimension_semantics<core_parallel>, #tpu.dimension_semantics<subcore_parallel>], iteration_bounds = array<i64: 2, 16>, scalar_prefetch = 0 : i64, scratch_operands = 7 : i64, tpu.core_type = #tpu.core_type<sc_vector_subcore>, window_params = [{transform_indices = #map}, {transform_indices = #map1}, {transform_indices = #map1}]} {
    %mul3A = arith.constant 2 : i32
    %mul3A_0 = arith.muli %arg1, %mul3A : i32
    %add3A = arith.addi %mul3A_0, %arg0 : i32
    %mul3A_1 = arith.constant 10240 : i32
    %mul3A_2 = arith.muli %add3A, %mul3A_1 : i32
    "tpu.region"() ({
      %run_scoped3A = tpu.sem_alloc : memref<!tpu.dma_semaphore, #tpu.memory_space<semaphore_mem>>
      %dma_start3A_56 = tpu.memref_slice %arg2[%mul3A_2] : memref<327680xi32, #tpu.memory_space<hbm>> -> memref<10240xi32, #tpu.memory_space<hbm>>
      %dma_start3A_57 = tpu.memref_slice %arg2[%mul3A_2] : memref<327680xi32, #tpu.memory_space<hbm>> -> memref<10240xi32, #tpu.memory_space<hbm>>
      tpu.enqueue_dma source(%dma_start3A_57 : memref<10240xi32, #tpu.memory_space<hbm>>) target(%arg5 : memref<10240xi32, #tpu.memory_space<vmem>>) target_semaphore(%run_scoped3A : memref<!tpu.dma_semaphore, #tpu.memory_space<semaphore_mem>>)
      %dma_wait3A_58 = tpu.memref_slice %arg2[%mul3A_2] : memref<327680xi32, #tpu.memory_space<hbm>> -> memref<10240xi32, #tpu.memory_space<hbm>>
      %dma_wait3A_59 = tpu.memref_slice %arg2[%mul3A_2] : memref<327680xi32, #tpu.memory_space<hbm>> -> memref<10240xi32, #tpu.memory_space<hbm>>
      tpu.wait_dma2 semaphore(%run_scoped3A : memref<!tpu.dma_semaphore, #tpu.memory_space<semaphore_mem>>) src(%dma_wait3A_59 : memref<10240xi32, #tpu.memory_space<hbm>>) dst(%arg5 : memref<10240xi32, #tpu.memory_space<vmem>>)
      tpu.yield
    }) : () -> ()
    %scan3A = arith.constant 0 : i32
    %scan3A_3 = arith.constant 0 : i32
    %scan3A_4 = arith.constant 640 : i32
    %scan3A_5 = arith.addi %scan3A_3, %scan3A_4 : i32
    %scan3A_6 = arith.constant 8 : i32
    scf.for %scan3A_56 = %scan3A_3 to %scan3A_5 step %scan3A_6  : i32 {
      %mul3A_57 = arith.constant 16 : i32
      %mul3A_58 = arith.muli %scan3A_56, %mul3A_57 : i32
      %get3A = arith.index_cast %mul3A_58 : i32 to index
      %get3A_59 = tpu.vector_load %arg5[%get3A] {strides = array<i32>} : memref<10240xi32, #tpu.memory_space<vmem>>, vector<16xi32>,
      %get3A_60 = vector.shape_cast %get3A_59 : vector<16xi32> to vector<16xi32>
      %not3A = arith.constant 16383 : i32
      %not3A_61 = arith.constant -1 : i32
      %not3A_62 = arith.xori %not3A, %not3A_61 : i32
      %and3A = vector.broadcast %not3A_62 : i32 to vector<16xi32>
      %and3A_63 = arith.andi %get3A_60, %and3A : vector<16xi32>
      %and3A_64 = arith.constant 4095 : i32
      %and3A_65 = vector.broadcast %and3A_64 : i32 to vector<16xi32>
      %and3A_66 = arith.andi %get3A_60, %and3A_65 : vector<16xi32>
      %shift_left3A = arith.constant 2 : i32
      %shift_left3A_67 = vector.broadcast %shift_left3A : i32 to vector<16xi32>
      %shift_left3A_68 = arith.shli %and3A_66, %shift_left3A_67 : vector<16xi32>
      %or3A = arith.ori %and3A_63, %shift_left3A_68 : vector<16xi32>
      %and3A_69 = arith.constant 16383 : i32
      %and3A_70 = vector.broadcast %and3A_69 : i32 to vector<16xi32>
      %and3A_71 = arith.andi %get3A_60, %and3A_70 : vector<16xi32>
      %shift_right_arithmetic3A = arith.constant 12 : i32
      %shift_right_arithmetic3A_72 = vector.broadcast %shift_right_arithmetic3A : i32 to vector<16xi32>
      %shift_right_arithmetic3A_73 = arith.shrsi %and3A_71, %shift_right_arithmetic3A_72 : vector<16xi32>
      %or3A_74 = arith.ori %or3A, %shift_right_arithmetic3A_73 : vector<16xi32>
      %mul3A_75 = arith.constant 16 : i32
      %mul3A_76 = arith.muli %scan3A_56, %mul3A_75 : i32
      %swap3A = arith.index_cast %mul3A_76 : i32 to index
      %swap3A_77 = tpu.vector_load %arg5[%swap3A] {strides = array<i32>} : memref<10240xi32, #tpu.memory_space<vmem>>, vector<16xi32>,
      %swap3A_78 = vector.shape_cast %swap3A_77 : vector<16xi32> to vector<16xi32>
      %swap3A_79 = vector.shape_cast %or3A_74 : vector<16xi32> to vector<16xi32>
      tpu.vector_store %arg5[%swap3A], %swap3A_79 {strides = array<i32>} : memref<10240xi32, #tpu.memory_space<vmem>>, vector<16xi32>,
      %scan3A_80 = arith.constant 1 : i32
      %scan3A_81 = arith.addi %scan3A_56, %scan3A_80 : i32
      %mul3A_82 = arith.constant 16 : i32
      %mul3A_83 = arith.muli %scan3A_81, %mul3A_82 : i32
      %get3A_84 = arith.index_cast %mul3A_83 : i32 to index
      %get3A_85 = tpu.vector_load %arg5[%get3A_84] {strides = array<i32>} : memref<10240xi32, #tpu.memory_space<vmem>>, vector<16xi32>,
      %get3A_86 = vector.shape_cast %get3A_85 : vector<16xi32> to vector<16xi32>
      %not3A_87 = arith.constant 16383 : i32
      %not3A_88 = arith.constant -1 : i32
      %not3A_89 = arith.xori %not3A_87, %not3A_88 : i32
      %and3A_90 = vector.broadcast %not3A_89 : i32 to vector<16xi32>
      %and3A_91 = arith.andi %get3A_86, %and3A_90 : vector<16xi32>
      %and3A_92 = arith.constant 4095 : i32
      %and3A_93 = vector.broadcast %and3A_92 : i32 to vector<16xi32>
      %and3A_94 = arith.andi %get3A_86, %and3A_93 : vector<16xi32>
      %shift_left3A_95 = arith.constant 2 : i32
      %shift_left3A_96 = vector.broadcast %shift_left3A_95 : i32 to vector<16xi32>
      %shift_left3A_97 = arith.shli %and3A_94, %shift_left3A_96 : vector<16xi32>
      %or3A_98 = arith.ori %and3A_91, %shift_left3A_97 : vector<16xi32>
      %and3A_99 = arith.constant 16383 : i32
      %and3A_100 = vector.broadcast %and3A_99 : i32 to vector<16xi32>
      %and3A_101 = arith.andi %get3A_86, %and3A_100 : vector<16xi32>
      %shift_right_arithmetic3A_102 = arith.constant 12 : i32
      %shift_right_arithmetic3A_103 = vector.broadcast %shift_right_arithmetic3A_102 : i32 to vector<16xi32>
      %shift_right_arithmetic3A_104 = arith.shrsi %and3A_101, %shift_right_arithmetic3A_103 : vector<16xi32>
      %or3A_105 = arith.ori %or3A_98, %shift_right_arithmetic3A_104 : vector<16xi32>
      %mul3A_106 = arith.constant 16 : i32
      %mul3A_107 = arith.muli %scan3A_81, %mul3A_106 : i32
      %swap3A_108 = arith.index_cast %mul3A_107 : i32 to index
      %swap3A_109 = tpu.vector_load %arg5[%swap3A_108] {strides = array<i32>} : memref<10240xi32, #tpu.memory_space<vmem>>, vector<16xi32>,
      %swap3A_110 = vector.shape_cast %swap3A_109 : vector<16xi32> to vector<16xi32>
      %swap3A_111 = vector.shape_cast %or3A_105 : vector<16xi32> to vector<16xi32>
      tpu.vector_store %arg5[%swap3A_108], %swap3A_111 {strides = array<i32>} : memref<10240xi32, #tpu.memory_space<vmem>>, vector<16xi32>,
      %scan3A_112 = arith.constant 2 : i32
      %scan3A_113 = arith.addi %scan3A_56, %scan3A_112 : i32
      %mul3A_114 = arith.constant 16 : i32
      %mul3A_115 = arith.muli %scan3A_113, %mul3A_114 : i32
      %get3A_116 = arith.index_cast %mul3A_115 : i32 to index
      %get3A_117 = tpu.vector_load %arg5[%get3A_116] {strides = array<i32>} : memref<10240xi32, #tpu.memory_space<vmem>>, vector<16xi32>,
      %get3A_118 = vector.shape_cast %get3A_117 : vector<16xi32> to vector<16xi32>
      %not3A_119 = arith.constant 16383 : i32
      %not3A_120 = arith.constant -1 : i32
      %not3A_121 = arith.xori %not3A_119, %not3A_120 : i32
      %and3A_122 = vector.broadcast %not3A_121 : i32 to vector<16xi32>
      %and3A_123 = arith.andi %get3A_118, %and3A_122 : vector<16xi32>
      %and3A_124 = arith.constant 4095 : i32
      %and3A_125 = vector.broadcast %and3A_124 : i32 to vector<16xi32>
      %and3A_126 = arith.andi %get3A_118, %and3A_125 : vector<16xi32>
      %shift_left3A_127 = arith.constant 2 : i32
      %shift_left3A_128 = vector.broadcast %shift_left3A_127 : i32 to vector<16xi32>
      %shift_left3A_129 = arith.shli %and3A_126, %shift_left3A_128 : vector<16xi32>
      %or3A_130 = arith.ori %and3A_123, %shift_left3A_129 : vector<16xi32>
      %and3A_131 = arith.constant 16383 : i32
      %and3A_132 = vector.broadcast %and3A_131 : i32 to vector<16xi32>
      %and3A_133 = arith.andi %get3A_118, %and3A_132 : vector<16xi32>
      %shift_right_arithmetic3A_134 = arith.constant 12 : i32
      %shift_right_arithmetic3A_135 = vector.broadcast %shift_right_arithmetic3A_134 : i32 to vector<16xi32>
      %shift_right_arithmetic3A_136 = arith.shrsi %and3A_133, %shift_right_arithmetic3A_135 : vector<16xi32>
      %or3A_137 = arith.ori %or3A_130, %shift_right_arithmetic3A_136 : vector<16xi32>
      %mul3A_138 = arith.constant 16 : i32
      %mul3A_139 = arith.muli %scan3A_113, %mul3A_138 : i32
      %swap3A_140 = arith.index_cast %mul3A_139 : i32 to index
      %swap3A_141 = tpu.vector_load %arg5[%swap3A_140] {strides = array<i32>} : memref<10240xi32, #tpu.memory_space<vmem>>, vector<16xi32>,
      %swap3A_142 = vector.shape_cast %swap3A_141 : vector<16xi32> to vector<16xi32>
      %swap3A_143 = vector.shape_cast %or3A_137 : vector<16xi32> to vector<16xi32>
      tpu.vector_store %arg5[%swap3A_140], %swap3A_143 {strides = array<i32>} : memref<10240xi32, #tpu.memory_space<vmem>>, vector<16xi32>,
      %scan3A_144 = arith.constant 3 : i32
      %scan3A_145 = arith.addi %scan3A_56, %scan3A_144 : i32
      %mul3A_146 = arith.constant 16 : i32
      %mul3A_147 = arith.muli %scan3A_145, %mul3A_146 : i32
      %get3A_148 = arith.index_cast %mul3A_147 : i32 to index
      %get3A_149 = tpu.vector_load %arg5[%get3A_148] {strides = array<i32>} : memref<10240xi32, #tpu.memory_space<vmem>>, vector<16xi32>,
      %get3A_150 = vector.shape_cast %get3A_149 : vector<16xi32> to vector<16xi32>
      %not3A_151 = arith.constant 16383 : i32
      %not3A_152 = arith.constant -1 : i32
      %not3A_153 = arith.xori %not3A_151, %not3A_152 : i32
      %and3A_154 = vector.broadcast %not3A_153 : i32 to vector<16xi32>
      %and3A_155 = arith.andi %get3A_150, %and3A_154 : vector<16xi32>
      %and3A_156 = arith.constant 4095 : i32
      %and3A_157 = vector.broadcast %and3A_156 : i32 to vector<16xi32>
      %and3A_158 = arith.andi %get3A_150, %and3A_157 : vector<16xi32>
      %shift_left3A_159 = arith.constant 2 : i32
      %shift_left3A_160 = vector.broadcast %shift_left3A_159 : i32 to vector<16xi32>
      %shift_left3A_161 = arith.shli %and3A_158, %shift_left3A_160 : vector<16xi32>
      %or3A_162 = arith.ori %and3A_155, %shift_left3A_161 : vector<16xi32>
      %and3A_163 = arith.constant 16383 : i32
      %and3A_164 = vector.broadcast %and3A_163 : i32 to vector<16xi32>
      %and3A_165 = arith.andi %get3A_150, %and3A_164 : vector<16xi32>
      %shift_right_arithmetic3A_166 = arith.constant 12 : i32
      %shift_right_arithmetic3A_167 = vector.broadcast %shift_right_arithmetic3A_166 : i32 to vector<16xi32>
      %shift_right_arithmetic3A_168 = arith.shrsi %and3A_165, %shift_right_arithmetic3A_167 : vector<16xi32>
      %or3A_169 = arith.ori %or3A_162, %shift_right_arithmetic3A_168 : vector<16xi32>
      %mul3A_170 = arith.constant 16 : i32
      %mul3A_171 = arith.muli %scan3A_145, %mul3A_170 : i32
      %swap3A_172 = arith.index_cast %mul3A_171 : i32 to index
      %swap3A_173 = tpu.vector_load %arg5[%swap3A_172] {strides = array<i32>} : memref<10240xi32, #tpu.memory_space<vmem>>, vector<16xi32>,
      %swap3A_174 = vector.shape_cast %swap3A_173 : vector<16xi32> to vector<16xi32>
      %swap3A_175 = vector.shape_cast %or3A_169 : vector<16xi32> to vector<16xi32>
      tpu.vector_store %arg5[%swap3A_172], %swap3A_175 {strides = array<i32>} : memref<10240xi32, #tpu.memory_space<vmem>>, vector<16xi32>,
      %scan3A_176 = arith.constant 4 : i32
      %scan3A_177 = arith.addi %scan3A_56, %scan3A_176 : i32
      %mul3A_178 = arith.constant 16 : i32
      %mul3A_179 = arith.muli %scan3A_177, %mul3A_178 : i32
      %get3A_180 = arith.index_cast %mul3A_179 : i32 to index
      %get3A_181 = tpu.vector_load %arg5[%get3A_180] {strides = array<i32>} : memref<10240xi32, #tpu.memory_space<vmem>>, vector<16xi32>,
      %get3A_182 = vector.shape_cast %get3A_181 : vector<16xi32> to vector<16xi32>
      %not3A_183 = arith.constant 16383 : i32
      %not3A_184 = arith.constant -1 : i32
      %not3A_185 = arith.xori %not3A_183, %not3A_184 : i32
      %and3A_186 = vector.broadcast %not3A_185 : i32 to vector<16xi32>
      %and3A_187 = arith.andi %get3A_182, %and3A_186 : vector<16xi32>
      %and3A_188 = arith.constant 4095 : i32
      %and3A_189 = vector.broadcast %and3A_188 : i32 to vector<16xi32>
      %and3A_190 = arith.andi %get3A_182, %and3A_189 : vector<16xi32>
      %shift_left3A_191 = arith.constant 2 : i32
      %shift_left3A_192 = vector.broadcast %shift_left3A_191 : i32 to vector<16xi32>
      %shift_left3A_193 = arith.shli %and3A_190, %shift_left3A_192 : vector<16xi32>
      %or3A_194 = arith.ori %and3A_187, %shift_left3A_193 : vector<16xi32>
      %and3A_195 = arith.constant 16383 : i32
      %and3A_196 = vector.broadcast %and3A_195 : i32 to vector<16xi32>
      %and3A_197 = arith.andi %get3A_182, %and3A_196 : vector<16xi32>
      %shift_right_arithmetic3A_198 = arith.constant 12 : i32
      %shift_right_arithmetic3A_199 = vector.broadcast %shift_right_arithmetic3A_198 : i32 to vector<16xi32>
      %shift_right_arithmetic3A_200 = arith.shrsi %and3A_197, %shift_right_arithmetic3A_199 : vector<16xi32>
      %or3A_201 = arith.ori %or3A_194, %shift_right_arithmetic3A_200 : vector<16xi32>
      %mul3A_202 = arith.constant 16 : i32
      %mul3A_203 = arith.muli %scan3A_177, %mul3A_202 : i32
      %swap3A_204 = arith.index_cast %mul3A_203 : i32 to index
      %swap3A_205 = tpu.vector_load %arg5[%swap3A_204] {strides = array<i32>} : memref<10240xi32, #tpu.memory_space<vmem>>, vector<16xi32>,
      %swap3A_206 = vector.shape_cast %swap3A_205 : vector<16xi32> to vector<16xi32>
      %swap3A_207 = vector.shape_cast %or3A_201 : vector<16xi32> to vector<16xi32>
      tpu.vector_store %arg5[%swap3A_204], %swap3A_207 {strides = array<i32>} : memref<10240xi32, #tpu.memory_space<vmem>>, vector<16xi32>,
      %scan3A_208 = arith.constant 5 : i32
      %scan3A_209 = arith.addi %scan3A_56, %scan3A_208 : i32
      %mul3A_210 = arith.constant 16 : i32
      %mul3A_211 = arith.muli %scan3A_209, %mul3A_210 : i32
      %get3A_212 = arith.index_cast %mul3A_211 : i32 to index
      %get3A_213 = tpu.vector_load %arg5[%get3A_212] {strides = array<i32>} : memref<10240xi32, #tpu.memory_space<vmem>>, vector<16xi32>,
      %get3A_214 = vector.shape_cast %get3A_213 : vector<16xi32> to vector<16xi32>
      %not3A_215 = arith.constant 16383 : i32
      %not3A_216 = arith.constant -1 : i32
      %not3A_217 = arith.xori %not3A_215, %not3A_216 : i32
      %and3A_218 = vector.broadcast %not3A_217 : i32 to vector<16xi32>
      %and3A_219 = arith.andi %get3A_214, %and3A_218 : vector<16xi32>
      %and3A_220 = arith.constant 4095 : i32
      %and3A_221 = vector.broadcast %and3A_220 : i32 to vector<16xi32>
      %and3A_222 = arith.andi %get3A_214, %and3A_221 : vector<16xi32>
      %shift_left3A_223 = arith.constant 2 : i32
      %shift_left3A_224 = vector.broadcast %shift_left3A_223 : i32 to vector<16xi32>
      %shift_left3A_225 = arith.shli %and3A_222, %shift_left3A_224 : vector<16xi32>
      %or3A_226 = arith.ori %and3A_219, %shift_left3A_225 : vector<16xi32>
      %and3A_227 = arith.constant 16383 : i32
      %and3A_228 = vector.broadcast %and3A_227 : i32 to vector<16xi32>
      %and3A_229 = arith.andi %get3A_214, %and3A_228 : vector<16xi32>
      %shift_right_arithmetic3A_230 = arith.constant 12 : i32
      %shift_right_arithmetic3A_231 = vector.broadcast %shift_right_arithmetic3A_230 : i32 to vector<16xi32>
      %shift_right_arithmetic3A_232 = arith.shrsi %and3A_229, %shift_right_arithmetic3A_231 : vector<16xi32>
      %or3A_233 = arith.ori %or3A_226, %shift_right_arithmetic3A_232 : vector<16xi32>
      %mul3A_234 = arith.constant 16 : i32
      %mul3A_235 = arith.muli %scan3A_209, %mul3A_234 : i32
      %swap3A_236 = arith.index_cast %mul3A_235 : i32 to index
      %swap3A_237 = tpu.vector_load %arg5[%swap3A_236] {strides = array<i32>} : memref<10240xi32, #tpu.memory_space<vmem>>, vector<16xi32>,
      %swap3A_238 = vector.shape_cast %swap3A_237 : vector<16xi32> to vector<16xi32>
      %swap3A_239 = vector.shape_cast %or3A_233 : vector<16xi32> to vector<16xi32>
      tpu.vector_store %arg5[%swap3A_236], %swap3A_239 {strides = array<i32>} : memref<10240xi32, #tpu.memory_space<vmem>>, vector<16xi32>,
      %scan3A_240 = arith.constant 6 : i32
      %scan3A_241 = arith.addi %scan3A_56, %scan3A_240 : i32
      %mul3A_242 = arith.constant 16 : i32
      %mul3A_243 = arith.muli %scan3A_241, %mul3A_242 : i32
      %get3A_244 = arith.index_cast %mul3A_243 : i32 to index
      %get3A_245 = tpu.vector_load %arg5[%get3A_244] {strides = array<i32>} : memref<10240xi32, #tpu.memory_space<vmem>>, vector<16xi32>,
      %get3A_246 = vector.shape_cast %get3A_245 : vector<16xi32> to vector<16xi32>
      %not3A_247 = arith.constant 16383 : i32
      %not3A_248 = arith.constant -1 : i32
      %not3A_249 = arith.xori %not3A_247, %not3A_248 : i32
      %and3A_250 = vector.broadcast %not3A_249 : i32 to vector<16xi32>
      %and3A_251 = arith.andi %get3A_246, %and3A_250 : vector<16xi32>
      %and3A_252 = arith.constant 4095 : i32
      %and3A_253 = vector.broadcast %and3A_252 : i32 to vector<16xi32>
      %and3A_254 = arith.andi %get3A_246, %and3A_253 : vector<16xi32>
      %shift_left3A_255 = arith.constant 2 : i32
      %shift_left3A_256 = vector.broadcast %shift_left3A_255 : i32 to vector<16xi32>
      %shift_left3A_257 = arith.shli %and3A_254, %shift_left3A_256 : vector<16xi32>
      %or3A_258 = arith.ori %and3A_251, %shift_left3A_257 : vector<16xi32>
      %and3A_259 = arith.constant 16383 : i32
      %and3A_260 = vector.broadcast %and3A_259 : i32 to vector<16xi32>
      %and3A_261 = arith.andi %get3A_246, %and3A_260 : vector<16xi32>
      %shift_right_arithmetic3A_262 = arith.constant 12 : i32
      %shift_right_arithmetic3A_263 = vector.broadcast %shift_right_arithmetic3A_262 : i32 to vector<16xi32>
      %shift_right_arithmetic3A_264 = arith.shrsi %and3A_261, %shift_right_arithmetic3A_263 : vector<16xi32>
      %or3A_265 = arith.ori %or3A_258, %shift_right_arithmetic3A_264 : vector<16xi32>
      %mul3A_266 = arith.constant 16 : i32
      %mul3A_267 = arith.muli %scan3A_241, %mul3A_266 : i32
      %swap3A_268 = arith.index_cast %mul3A_267 : i32 to index
      %swap3A_269 = tpu.vector_load %arg5[%swap3A_268] {strides = array<i32>} : memref<10240xi32, #tpu.memory_space<vmem>>, vector<16xi32>,
      %swap3A_270 = vector.shape_cast %swap3A_269 : vector<16xi32> to vector<16xi32>
      %swap3A_271 = vector.shape_cast %or3A_265 : vector<16xi32> to vector<16xi32>
      tpu.vector_store %arg5[%swap3A_268], %swap3A_271 {strides = array<i32>} : memref<10240xi32, #tpu.memory_space<vmem>>, vector<16xi32>,
      %scan3A_272 = arith.constant 7 : i32
      %scan3A_273 = arith.addi %scan3A_56, %scan3A_272 : i32
      %mul3A_274 = arith.constant 16 : i32
      %mul3A_275 = arith.muli %scan3A_273, %mul3A_274 : i32
      %get3A_276 = arith.index_cast %mul3A_275 : i32 to index
      %get3A_277 = tpu.vector_load %arg5[%get3A_276] {strides = array<i32>} : memref<10240xi32, #tpu.memory_space<vmem>>, vector<16xi32>,
      %get3A_278 = vector.shape_cast %get3A_277 : vector<16xi32> to vector<16xi32>
      %not3A_279 = arith.constant 16383 : i32
      %not3A_280 = arith.constant -1 : i32
      %not3A_281 = arith.xori %not3A_279, %not3A_280 : i32
      %and3A_282 = vector.broadcast %not3A_281 : i32 to vector<16xi32>
      %and3A_283 = arith.andi %get3A_278, %and3A_282 : vector<16xi32>
      %and3A_284 = arith.constant 4095 : i32
      %and3A_285 = vector.broadcast %and3A_284 : i32 to vector<16xi32>
      %and3A_286 = arith.andi %get3A_278, %and3A_285 : vector<16xi32>
      %shift_left3A_287 = arith.constant 2 : i32
      %shift_left3A_288 = vector.broadcast %shift_left3A_287 : i32 to vector<16xi32>
      %shift_left3A_289 = arith.shli %and3A_286, %shift_left3A_288 : vector<16xi32>
      %or3A_290 = arith.ori %and3A_283, %shift_left3A_289 : vector<16xi32>
      %and3A_291 = arith.constant 16383 : i32
      %and3A_292 = vector.broadcast %and3A_291 : i32 to vector<16xi32>
      %and3A_293 = arith.andi %get3A_278, %and3A_292 : vector<16xi32>
      %shift_right_arithmetic3A_294 = arith.constant 12 : i32
      %shift_right_arithmetic3A_295 = vector.broadcast %shift_right_arithmetic3A_294 : i32 to vector<16xi32>
      %shift_right_arithmetic3A_296 = arith.shrsi %and3A_293, %shift_right_arithmetic3A_295 : vector<16xi32>
      %or3A_297 = arith.ori %or3A_290, %shift_right_arithmetic3A_296 : vector<16xi32>
      %mul3A_298 = arith.constant 16 : i32
      %mul3A_299 = arith.muli %scan3A_273, %mul3A_298 : i32
      %swap3A_300 = arith.index_cast %mul3A_299 : i32 to index
      %swap3A_301 = tpu.vector_load %arg5[%swap3A_300] {strides = array<i32>} : memref<10240xi32, #tpu.memory_space<vmem>>, vector<16xi32>,
      %swap3A_302 = vector.shape_cast %swap3A_301 : vector<16xi32> to vector<16xi32>
      %swap3A_303 = vector.shape_cast %or3A_297 : vector<16xi32> to vector<16xi32>
      tpu.vector_store %arg5[%swap3A_300], %swap3A_303 {strides = array<i32>} : memref<10240xi32, #tpu.memory_space<vmem>>, vector<16xi32>,
    }
    %scan3A_7 = arith.constant 640 : i32
    %dma_start3A = arith.constant 0 : i32
    %dma_start3A_8 = tpu.memref_slice %arg5[%dma_start3A] : memref<10240xi32, #tpu.memory_space<vmem>> -> memref<1024xi32, #tpu.memory_space<vmem>>
    %dma_start3A_9 = arith.constant 0 : i32
    %dma_start3A_10 = arith.constant 0 : i32
    %dma_start3A_11 = tpu.memref_slice %arg3[%dma_start3A_9, %dma_start3A_10] : memref<1015808x32xf32, #tpu.memory_space<hbm>> -> memref<1015808x32xf32, #tpu.memory_space<hbm>>
    tpu.enqueue_indirect_dma source(%dma_start3A_11 : memref<1015808x32xf32, #tpu.memory_space<hbm>>) target(%arg6 : memref<1024x32xf32, #tpu.memory_space<vmem>>) offsets(%dma_start3A_8 : memref<1024xi32, #tpu.memory_space<vmem>>) semaphore(%arg8 : memref<!tpu.dma_semaphore, #tpu.memory_space<semaphore_mem>>)
    %dma_start3A_12 = arith.constant 1024 : i32
    %dma_start3A_13 = tpu.memref_slice %arg5[%dma_start3A_12] : memref<10240xi32, #tpu.memory_space<vmem>> -> memref<1024xi32, #tpu.memory_space<vmem>>
    %dma_start3A_14 = arith.constant 0 : i32
    %dma_start3A_15 = arith.constant 0 : i32
    %dma_start3A_16 = tpu.memref_slice %arg3[%dma_start3A_14, %dma_start3A_15] : memref<1015808x32xf32, #tpu.memory_space<hbm>> -> memref<1015808x32xf32, #tpu.memory_space<hbm>>
    tpu.enqueue_indirect_dma source(%dma_start3A_16 : memref<1015808x32xf32, #tpu.memory_space<hbm>>) target(%arg7 : memref<1024x32xf32, #tpu.memory_space<vmem>>) offsets(%dma_start3A_13 : memref<1024xi32, #tpu.memory_space<vmem>>) semaphore(%arg9 : memref<!tpu.dma_semaphore, #tpu.memory_space<semaphore_mem>>)
    %scan3A_17 = arith.constant 0 : i32
    %scan3A_18 = arith.constant 0 : i32
    %scan3A_19 = arith.constant 4 : i32
    %scan3A_20 = arith.addi %scan3A_18, %scan3A_19 : i32
    %scan3A_21 = arith.constant 1 : i32
    scf.for %scan3A_56 = %scan3A_18 to %scan3A_20 step %scan3A_21  : i32 {
      %mul3A_57 = arith.constant 2 : i32
      %mul3A_58 = arith.muli %scan3A_56, %mul3A_57 : i32
      %add3A_59 = arith.constant 0 : i32
      %add3A_60 = arith.addi %mul3A_58, %add3A_59 : i32
      %dma_wait3A_61 = arith.constant 0 : i32
      %dma_wait3A_62 = tpu.memref_slice %arg5[%dma_wait3A_61] : memref<10240xi32, #tpu.memory_space<vmem>> -> memref<1024xi32, #tpu.memory_space<vmem>>
      %dma_wait3A_63 = arith.constant 0 : i32
      %dma_wait3A_64 = arith.constant 0 : i32
      %dma_wait3A_65 = tpu.memref_slice %arg3[%dma_wait3A_63, %dma_wait3A_64] : memref<1015808x32xf32, #tpu.memory_space<hbm>> -> memref<1015808x32xf32, #tpu.memory_space<hbm>>
      tpu.wait_indirect_dma semaphore(%arg8 : memref<!tpu.dma_semaphore, #tpu.memory_space<semaphore_mem>>) src(%dma_wait3A_65 : memref<1015808x32xf32, #tpu.memory_space<hbm>>) dst(%arg6 : memref<1024x32xf32, #tpu.memory_space<vmem>>)
      %mul3A_66 = arith.constant 1024 : i32
      %mul3A_67 = arith.muli %add3A_60, %mul3A_66 : i32
      %add3A_68 = arith.addi %mul3A_2, %mul3A_67 : i32
      %dma_start3A_69 = arith.constant 0 : i32
      %dma_start3A_70 = tpu.memref_slice %arg4[%add3A_68, %dma_start3A_69] : memref<327680x32xf32, #tpu.memory_space<hbm>> -> memref<1024x32xf32, #tpu.memory_space<hbm>>
      %dma_start3A_71 = arith.constant 0 : i32
      %dma_start3A_72 = tpu.memref_slice %arg4[%add3A_68, %dma_start3A_71] : memref<327680x32xf32, #tpu.memory_space<hbm>> -> memref<1024x32xf32, #tpu.memory_space<hbm>>
      tpu.enqueue_dma source(%arg6 : memref<1024x32xf32, #tpu.memory_space<vmem>>) target(%dma_start3A_72 : memref<1024x32xf32, #tpu.memory_space<hbm>>) target_semaphore(%arg10 : memref<!tpu.dma_semaphore, #tpu.memory_space<semaphore_mem>>)
      %dma_wait3A_73 = arith.constant 0 : i32
      %dma_wait3A_74 = arith.constant 0 : i32
      %dma_wait3A_75 = tpu.memref_slice %arg4[%dma_wait3A_73, %dma_wait3A_74] : memref<327680x32xf32, #tpu.memory_space<hbm>> -> memref<1024x32xf32, #tpu.memory_space<hbm>>
      %dma_wait3A_76 = arith.constant 0 : i32
      %dma_wait3A_77 = arith.constant 0 : i32
      %dma_wait3A_78 = tpu.memref_slice %arg4[%dma_wait3A_76, %dma_wait3A_77] : memref<327680x32xf32, #tpu.memory_space<hbm>> -> memref<1024x32xf32, #tpu.memory_space<hbm>>
      tpu.wait_dma2 semaphore(%arg10 : memref<!tpu.dma_semaphore, #tpu.memory_space<semaphore_mem>>) src(%arg6 : memref<1024x32xf32, #tpu.memory_space<vmem>>) dst(%dma_wait3A_78 : memref<1024x32xf32, #tpu.memory_space<hbm>>)
      %add3A_79 = arith.constant 2 : i32
      %add3A_80 = arith.addi %add3A_60, %add3A_79 : i32
      %mul3A_81 = arith.constant 1024 : i32
      %mul3A_82 = arith.muli %add3A_80, %mul3A_81 : i32
      %dma_start3A_83 = tpu.memref_slice %arg5[%mul3A_82] : memref<10240xi32, #tpu.memory_space<vmem>> -> memref<1024xi32, #tpu.memory_space<vmem>>
      %dma_start3A_84 = arith.constant 0 : i32
      %dma_start3A_85 = arith.constant 0 : i32
      %dma_start3A_86 = tpu.memref_slice %arg3[%dma_start3A_84, %dma_start3A_85] : memref<1015808x32xf32, #tpu.memory_space<hbm>> -> memref<1015808x32xf32, #tpu.memory_space<hbm>>
      tpu.enqueue_indirect_dma source(%dma_start3A_86 : memref<1015808x32xf32, #tpu.memory_space<hbm>>) target(%arg6 : memref<1024x32xf32, #tpu.memory_space<vmem>>) offsets(%dma_start3A_83 : memref<1024xi32, #tpu.memory_space<vmem>>) semaphore(%arg8 : memref<!tpu.dma_semaphore, #tpu.memory_space<semaphore_mem>>)
      %mul3A_87 = arith.constant 2 : i32
      %mul3A_88 = arith.muli %scan3A_56, %mul3A_87 : i32
      %add3A_89 = arith.constant 1 : i32
      %add3A_90 = arith.addi %mul3A_88, %add3A_89 : i32
      %dma_wait3A_91 = arith.constant 0 : i32
      %dma_wait3A_92 = tpu.memref_slice %arg5[%dma_wait3A_91] : memref<10240xi32, #tpu.memory_space<vmem>> -> memref<1024xi32, #tpu.memory_space<vmem>>
      %dma_wait3A_93 = arith.constant 0 : i32
      %dma_wait3A_94 = arith.constant 0 : i32
      %dma_wait3A_95 = tpu.memref_slice %arg3[%dma_wait3A_93, %dma_wait3A_94] : memref<1015808x32xf32, #tpu.memory_space<hbm>> -> memref<1015808x32xf32, #tpu.memory_space<hbm>>
      tpu.wait_indirect_dma semaphore(%arg9 : memref<!tpu.dma_semaphore, #tpu.memory_space<semaphore_mem>>) src(%dma_wait3A_95 : memref<1015808x32xf32, #tpu.memory_space<hbm>>) dst(%arg7 : memref<1024x32xf32, #tpu.memory_space<vmem>>)
      %mul3A_96 = arith.constant 1024 : i32
      %mul3A_97 = arith.muli %add3A_90, %mul3A_96 : i32
      %add3A_98 = arith.addi %mul3A_2, %mul3A_97 : i32
      %dma_start3A_99 = arith.constant 0 : i32
      %dma_start3A_100 = tpu.memref_slice %arg4[%add3A_98, %dma_start3A_99] : memref<327680x32xf32, #tpu.memory_space<hbm>> -> memref<1024x32xf32, #tpu.memory_space<hbm>>
      %dma_start3A_101 = arith.constant 0 : i32
      %dma_start3A_102 = tpu.memref_slice %arg4[%add3A_98, %dma_start3A_101] : memref<327680x32xf32, #tpu.memory_space<hbm>> -> memref<1024x32xf32, #tpu.memory_space<hbm>>
      tpu.enqueue_dma source(%arg7 : memref<1024x32xf32, #tpu.memory_space<vmem>>) target(%dma_start3A_102 : memref<1024x32xf32, #tpu.memory_space<hbm>>) target_semaphore(%arg11 : memref<!tpu.dma_semaphore, #tpu.memory_space<semaphore_mem>>)
      %dma_wait3A_103 = arith.constant 0 : i32
      %dma_wait3A_104 = arith.constant 0 : i32
      %dma_wait3A_105 = tpu.memref_slice %arg4[%dma_wait3A_103, %dma_wait3A_104] : memref<327680x32xf32, #tpu.memory_space<hbm>> -> memref<1024x32xf32, #tpu.memory_space<hbm>>
      %dma_wait3A_106 = arith.constant 0 : i32
      %dma_wait3A_107 = arith.constant 0 : i32
      %dma_wait3A_108 = tpu.memref_slice %arg4[%dma_wait3A_106, %dma_wait3A_107] : memref<327680x32xf32, #tpu.memory_space<hbm>> -> memref<1024x32xf32, #tpu.memory_space<hbm>>
      tpu.wait_dma2 semaphore(%arg11 : memref<!tpu.dma_semaphore, #tpu.memory_space<semaphore_mem>>) src(%arg7 : memref<1024x32xf32, #tpu.memory_space<vmem>>) dst(%dma_wait3A_108 : memref<1024x32xf32, #tpu.memory_space<hbm>>)
      %add3A_109 = arith.constant 2 : i32
      %add3A_110 = arith.addi %add3A_90, %add3A_109 : i32
      %mul3A_111 = arith.constant 1024 : i32
      %mul3A_112 = arith.muli %add3A_110, %mul3A_111 : i32
      %dma_start3A_113 = tpu.memref_slice %arg5[%mul3A_112] : memref<10240xi32, #tpu.memory_space<vmem>> -> memref<1024xi32, #tpu.memory_space<vmem>>
      %dma_start3A_114 = arith.constant 0 : i32
      %dma_start3A_115 = arith.constant 0 : i32
      %dma_start3A_116 = tpu.memref_slice %arg3[%dma_start3A_114, %dma_start3A_115] : memref<1015808x32xf32, #tpu.memory_space<hbm>> -> memref<1015808x32xf32, #tpu.memory_space<hbm>>
      tpu.enqueue_indirect_dma source(%dma_start3A_116 : memref<1015808x32xf32, #tpu.memory_space<hbm>>) target(%arg7 : memref<1024x32xf32, #tpu.memory_space<vmem>>) offsets(%dma_start3A_113 : memref<1024xi32, #tpu.memory_space<vmem>>) semaphore(%arg9 : memref<!tpu.dma_semaphore, #tpu.memory_space<semaphore_mem>>)
    }
    %scan3A_22 = arith.constant 4 : i32
    %dma_wait3A = arith.constant 0 : i32
    %dma_wait3A_23 = tpu.memref_slice %arg5[%dma_wait3A] : memref<10240xi32, #tpu.memory_space<vmem>> -> memref<1024xi32, #tpu.memory_space<vmem>>
    %dma_wait3A_24 = arith.constant 0 : i32
    %dma_wait3A_25 = arith.constant 0 : i32
    %dma_wait3A_26 = tpu.memref_slice %arg3[%dma_wait3A_24, %dma_wait3A_25] : memref<1015808x32xf32, #tpu.memory_space<hbm>> -> memref<1015808x32xf32, #tpu.memory_space<hbm>>
    tpu.wait_indirect_dma semaphore(%arg8 : memref<!tpu.dma_semaphore, #tpu.memory_space<semaphore_mem>>) src(%dma_wait3A_26 : memref<1015808x32xf32, #tpu.memory_space<hbm>>) dst(%arg6 : memref<1024x32xf32, #tpu.memory_space<vmem>>)
    %add3A_27 = arith.constant 8192 : i32
    %add3A_28 = arith.addi %mul3A_2, %add3A_27 : i32
    %dma_start3A_29 = arith.constant 0 : i32
    %dma_start3A_30 = tpu.memref_slice %arg4[%add3A_28, %dma_start3A_29] : memref<327680x32xf32, #tpu.memory_space<hbm>> -> memref<1024x32xf32, #tpu.memory_space<hbm>>
    %dma_start3A_31 = arith.constant 0 : i32
    %dma_start3A_32 = tpu.memref_slice %arg4[%add3A_28, %dma_start3A_31] : memref<327680x32xf32, #tpu.memory_space<hbm>> -> memref<1024x32xf32, #tpu.memory_space<hbm>>
    tpu.enqueue_dma source(%arg6 : memref<1024x32xf32, #tpu.memory_space<vmem>>) target(%dma_start3A_32 : memref<1024x32xf32, #tpu.memory_space<hbm>>) target_semaphore(%arg10 : memref<!tpu.dma_semaphore, #tpu.memory_space<semaphore_mem>>)
    %dma_wait3A_33 = arith.constant 0 : i32
    %dma_wait3A_34 = tpu.memref_slice %arg5[%dma_wait3A_33] : memref<10240xi32, #tpu.memory_space<vmem>> -> memref<1024xi32, #tpu.memory_space<vmem>>
    %dma_wait3A_35 = arith.constant 0 : i32
    %dma_wait3A_36 = arith.constant 0 : i32
    %dma_wait3A_37 = tpu.memref_slice %arg3[%dma_wait3A_35, %dma_wait3A_36] : memref<1015808x32xf32, #tpu.memory_space<hbm>> -> memref<1015808x32xf32, #tpu.memory_space<hbm>>
    tpu.wait_indirect_dma semaphore(%arg9 : memref<!tpu.dma_semaphore, #tpu.memory_space<semaphore_mem>>) src(%dma_wait3A_37 : memref<1015808x32xf32, #tpu.memory_space<hbm>>) dst(%arg7 : memref<1024x32xf32, #tpu.memory_space<vmem>>)
    %add3A_38 = arith.constant 9216 : i32
    %add3A_39 = arith.addi %mul3A_2, %add3A_38 : i32
    %dma_start3A_40 = arith.constant 0 : i32
    %dma_start3A_41 = tpu.memref_slice %arg4[%add3A_39, %dma_start3A_40] : memref<327680x32xf32, #tpu.memory_space<hbm>> -> memref<1024x32xf32, #tpu.memory_space<hbm>>
    %dma_start3A_42 = arith.constant 0 : i32
    %dma_start3A_43 = tpu.memref_slice %arg4[%add3A_39, %dma_start3A_42] : memref<327680x32xf32, #tpu.memory_space<hbm>> -> memref<1024x32xf32, #tpu.memory_space<hbm>>
    tpu.enqueue_dma source(%arg7 : memref<1024x32xf32, #tpu.memory_space<vmem>>) target(%dma_start3A_43 : memref<1024x32xf32, #tpu.memory_space<hbm>>) target_semaphore(%arg11 : memref<!tpu.dma_semaphore, #tpu.memory_space<semaphore_mem>>)
    %dma_wait3A_44 = arith.constant 0 : i32
    %dma_wait3A_45 = arith.constant 0 : i32
    %dma_wait3A_46 = tpu.memref_slice %arg4[%dma_wait3A_44, %dma_wait3A_45] : memref<327680x32xf32, #tpu.memory_space<hbm>> -> memref<1024x32xf32, #tpu.memory_space<hbm>>
    %dma_wait3A_47 = arith.constant 0 : i32
    %dma_wait3A_48 = arith.constant 0 : i32
    %dma_wait3A_49 = tpu.memref_slice %arg4[%dma_wait3A_47, %dma_wait3A_48] : memref<327680x32xf32, #tpu.memory_space<hbm>> -> memref<1024x32xf32, #tpu.memory_space<hbm>>
    tpu.wait_dma2 semaphore(%arg10 : memref<!tpu.dma_semaphore, #tpu.memory_space<semaphore_mem>>) src(%arg6 : memref<1024x32xf32, #tpu.memory_space<vmem>>) dst(%dma_wait3A_49 : memref<1024x32xf32, #tpu.memory_space<hbm>>)
    %dma_wait3A_50 = arith.constant 0 : i32
    %dma_wait3A_51 = arith.constant 0 : i32
    %dma_wait3A_52 = tpu.memref_slice %arg4[%dma_wait3A_50, %dma_wait3A_51] : memref<327680x32xf32, #tpu.memory_space<hbm>> -> memref<1024x32xf32, #tpu.memory_space<hbm>>
    %dma_wait3A_53 = arith.constant 0 : i32
    %dma_wait3A_54 = arith.constant 0 : i32
    %dma_wait3A_55 = tpu.memref_slice %arg4[%dma_wait3A_53, %dma_wait3A_54] : memref<327680x32xf32, #tpu.memory_space<hbm>> -> memref<1024x32xf32, #tpu.memory_space<hbm>>
    tpu.wait_dma2 semaphore(%arg11 : memref<!tpu.dma_semaphore, #tpu.memory_space<semaphore_mem>>) src(%arg7 : memref<1024x32xf32, #tpu.memory_space<vmem>>) dst(%dma_wait3A_55 : memref<1024x32xf32, #tpu.memory_space<hbm>>)
    return
  }
}

module attributes {stable_mosaic.version = 14 : i64} {
  func.func @tk(%arg0: i32, %arg1: memref<32x16384xf32, #tpu.memory_space<vmem>>, %arg2: memref<4096x128xf32, #tpu.memory_space<vmem>>) attributes {dimension_semantics = [#tpu.dimension_semantics<arbitrary>], iteration_bounds = array<i64: 62>, scalar_prefetch = 0 : i64, scratch_operands = 0 : i64, tpu.core_type = #tpu.core_type<tc>, window_params = [{transform_indices = @transform_0, window_bounds = array<i64: 32, 16384>}, {transform_indices = @transform_1, window_bounds = array<i64: 4096, 128>}]} {
    %get3A = arith.constant 0 : index
    %get3A_0 = arith.constant 0 : index
    %get3A_1 = vector.load %arg1[%get3A, %get3A_0] : memref<32x16384xf32, #tpu.memory_space<vmem>>, vector<32x16384xf32>
    %transpose3A = tpu.transpose %get3A_1, [1, 0] : vector<32x16384xf32> -> vector<16384x32xf32>
    %slice3A = vector.extract_strided_slice %transpose3A {offsets = [0, 0], sizes = [4096, 32], strides = [1, 1]} : vector<16384x32xf32> to vector<4096x32xf32>
    %slice3A_2 = vector.extract_strided_slice %transpose3A {offsets = [4096, 0], sizes = [4096, 32], strides = [1, 1]} : vector<16384x32xf32> to vector<4096x32xf32>
    %slice3A_3 = vector.extract_strided_slice %transpose3A {offsets = [8192, 0], sizes = [4096, 32], strides = [1, 1]} : vector<16384x32xf32> to vector<4096x32xf32>
    %slice3A_4 = vector.extract_strided_slice %transpose3A {offsets = [12288, 0], sizes = [4096, 32], strides = [1, 1]} : vector<16384x32xf32> to vector<4096x32xf32>
    %concatenate3A = tpu.concatenate %slice3A, %slice3A_2, %slice3A_3, %slice3A_4 in 1 : vector<4096x32xf32>, vector<4096x32xf32>, vector<4096x32xf32>, vector<4096x32xf32> -> vector<4096x128xf32>
    %swap3A = arith.constant 0 : index
    %swap3A_5 = arith.constant 0 : index
    %swap3A_6 = vector.load %arg2[%swap3A, %swap3A_5] : memref<4096x128xf32, #tpu.memory_space<vmem>>, vector<4096x128xf32>
    tpu.vector_store %arg2[%swap3A, %swap3A_5], %concatenate3A {strides = array<i32>} : memref<4096x128xf32, #tpu.memory_space<vmem>>, vector<4096x128xf32>,
    return
  }
  func.func @transform_0(%arg0: i32) -> (i32, i32) {
    %c0_i32 = arith.constant 0 : i32
    %c0_i32_0 = arith.constant 0 : i32
    return %c0_i32, %arg0 : i32, i32
  }
  func.func @transform_1(%arg0: i32) -> (i32, i32) {
    %c0_i32 = arith.constant 0 : i32
    %c0_i32_0 = arith.constant 0 : i32
    return %arg0, %c0_i32 : i32, i32
  }
}

</mosaic_0001>

<sc_bundles>
// kernel: kernel.4.cloned.1.call-start
scs
__scs_entry_jumppad:
0x0: {  	(pc) =	sbr.rel $0x88, $3  }
0x1: {  	(tag) =	ssettag $0x0;
	lr =	simm.s32 $0x1  }
0x2: {  	[smem:$0x3F9F] =	sst lr;
	_ =	strace $0xD0000000  }
0x3: {  	_ = 	snop  }
0x4: {  	_ = 	snop  }
0x5: {  	_ = 	snop  }
0x6: {  	_ = 	snop  }
0x7: {  	_ = 	snop  }
__scs_overlays_trampoline_lowered:
0x8: {  	[smem:$0x3FAE] =	sst s0  }
0x9: {  	[smem:$0x3FAF] =	sst s1  }
0xa: {  	[smem:$0x3FB0] =	sst s2  }
0xb: {  	[smem:$0x3FB1] =	sst s3  }
0xc: {  	[smem:$0x3FB2] =	sst s4  }
0xd: {  	[smem:$0x3FB3] =	sst s5  }
0xe: {  	[smem:$0x3FB4] =	sst s6  }
0xf: {  	[smem:$0x3FB5] =	sst s7  }
0x10: {  	[smem:$0x3FB6] =	sst s8  }
0x11: {  	[smem:$0x3FB7] =	sst s9;
	s0 =	simm.s32 @!p0 $0x0  }
0x12: {  	s1 =	sld [smem:$0x3F9D];
	s0 =	simm.s32 @p0 $0x1  }
0x13: {  	[smem:$0x3FB8] =	sst s0;
	s0 =	simm.s32 @!p1 $0x0  }
0x14: {  	s2 =	sld [smem:$0x3F9C];
	s0 =	simm.s32 @p1 $0x1  }
0x15: {  	[smem:$0x3FB9] =	sst s0;
	s0 =	simm.s32 @!p2 $0x0  }
0x16: {  	s3 =	sld [smem:$0x3FDB];
	s0 =	simm.s32 @p2 $0x1  }
0x17: {  	s4 =	simm.s32 $0x1BF5;
	[smem:$0x3FBB] =	sst s0  }
0x18: {  	s0 =	sld [smem:$0x3F9E];
	_ =	swait.ge [sflag:s4], $0x0  }
0x19: {  	s7 =	sld [smem:$0x3F9F]  }
0x1a: {  	s8 =	sadd.s32 $0xFFFFE003, lr  }
0x1b: {  	s9 =	sadd.s32 $0xFFFFFEF7, lr;
	s5 =	simm.s32 $0xFFFFFFFF;
	p2 =	slt.u32 s8, $0xFFFFF086  }
0x1c: {  	p1 =	slt.u32 s9, $0xF7A;
	s5 =	simm.s32 @!p2 $0x0  }
0x1d: {  	s5 =	simm.s32 @p1 $0x1;
	p0 =	seq.s32 s7, s2  }
0x1e: {  	s7 =	smul.u32 @!p0 $0xF7A, s2;
	p2 =	seq.s32 @!p0 s5, $0x0  }
0x1f: {  	s9 =	smul.u32 $0xF7A, s1;
	s8 =	simm.s32 @!p0 $0x1BF5;
	p2 =	por !p2, p0  }
0x20: {  	[sflag:s8] =	ssyncset.s32 @!p0 $0xFFFFF086;
	s6 =	sadd.s32 @!p0 s3, s7;
	s7 =	simm.s32 @!p0 $0x108  }
0x21: {  	s3 =	sadd.s32 s3, s9;
	s6 =	sadd.s32 @!p0 $0x88, s6;
	s7 =	simm.s32 @p2 $0x1082  }
0x22: {  	[simem:s7], [sflag:s8] =	dma.local @!p0 [hbm:s6], $0xF7A  }
0x23: {  	s9 =	sor.u32 $0xD0000000, s2;
	s6 =	simm.s32 $0x108;
	_ =	swait.ge @!p0 [sflag:s8], $0x0  }
0x24: {  	s3 =	sadd.s32 $0x88, s3;
	s6 =	simm.s32 @!p1 $0x1082;
	[sflag:s4] =	ssyncset.s32 $0xFFFFF086  }
0x25: {  	[simem:s6], [sflag:s4] =	dma.local [hbm:s3], $0xF7A  }
0x26: {  	[smem:$0x3F9F] =	sst s1;
	(tag) =	ssettag s2;
	_ =	strace s9  }
0x27: {  	s1 =	sld [smem:$0x3FAF]  }
0x28: {  	s2 =	sld [smem:$0x3FB0]  }
0x29: {  	s4 =	sld [smem:$0x3FB2]  }
0x2a: {  	p0 =	seq.s32 s5, $0x0;
	s5 =	sld [smem:$0x3FB3]  }
0x2b: {  	s6 =	sld [smem:$0x3FB4]  }
0x2c: {  	s7 =	sld [smem:$0x3FB5]  }
0x2d: {  	s3 =	simm.s32 $0x108;
	s8 =	sld [smem:$0x3FB6]  }
0x2e: {  	s3 =	simm.s32 @!p0 $0x1082;
	s9 =	sld [smem:$0x3FB7]  }
0x2f: {  	lr =	sadd.s32 s0, s3;
	s0 =	sld [smem:$0x3FAE]  }
0x30: {  	s3 =	sld [smem:$0x3FB1]  }
0x31: {  	[smem:$0x3FBA] =	sst s10  }
0x32: {  	s10 =	sld [smem:$0x3FB8];
	_ =	sdelay $0x3  }
0x33: {  	p0 =	seq.s32 s10, $0x1;
	s10 =	sld [smem:$0x3FBA];
	_ =	sdelay $0x3  }
0x34: {  	[smem:$0x3FBA] =	sst s10  }
0x35: {  	s10 =	sld [smem:$0x3FB9];
	_ =	sdelay $0x3  }
0x36: {  	p1 =	seq.s32 s10, $0x1;
	s10 =	sld [smem:$0x3FBA];
	_ =	sdelay $0x3  }
0x37: {  	[smem:$0x3FBA] =	sst s10  }
0x38: {  	s10 =	sld [smem:$0x3FBB]  }
0x39: {  	_ = 	snop;
	(pc) =	sbr.ind lr, $3  }
0x3a: {  	_ = 	snop  }
0x3b: {  	_ = 	snop  }
0x3c: {  	p2 =	seq.s32 s10, $0x1;
	s10 =	sld [smem:$0x3FBA]  }
0x3d: {  	_ =	shalt  }
0x3e: {  	_ =	shalt  }
0x3f: {  	_ =	shalt  }
0x40: {  	_ =	shalt  }
0x41: {  	_ =	shalt  }
0x42: {  	_ =	shalt  }
0x43: {  	_ =	shalt  }
0x44: {  	_ =	shalt  }
0x45: {  	_ =	shalt  }
0x46: {  	_ =	shalt  }
0x47: {  	_ =	shalt  }
0x48: {  	_ =	shalt  }
0x49: {  	_ =	shalt  }
0x4a: {  	_ =	shalt  }
0x4b: {  	_ =	shalt  }
0x4c: {  	_ =	shalt  }
0x4d: {  	_ =	shalt  }
0x4e: {  	_ =	shalt  }
0x4f: {  	_ =	shalt  }
0x50: {  	_ =	shalt  }
0x51: {  	_ =	shalt  }
0x52: {  	_ =	shalt  }
0x53: {  	_ =	shalt  }
0x54: {  	_ =	shalt  }
0x55: {  	_ =	shalt  }
0x56: {  	_ =	shalt  }
0x57: {  	_ =	shalt  }
0x58: {  	_ =	shalt  }
0x59: {  	_ =	shalt  }
0x5a: {  	_ =	shalt  }
0x5b: {  	_ =	shalt  }
0x5c: {  	_ =	shalt  }
0x5d: {  	_ =	shalt  }
0x5e: {  	_ =	shalt  }
0x5f: {  	_ =	shalt  }
0x60: {  	_ =	shalt  }
0x61: {  	_ =	shalt  }
0x62: {  	_ =	shalt  }
0x63: {  	_ =	shalt  }
0x64: {  	_ =	shalt  }
0x65: {  	_ =	shalt  }
0x66: {  	_ =	shalt  }
0x67: {  	_ =	shalt  }
0x68: {  	_ =	shalt  }
0x69: {  	_ =	shalt  }
0x6a: {  	_ =	shalt  }
0x6b: {  	_ =	shalt  }
0x6c: {  	_ =	shalt  }
0x6d: {  	_ =	shalt  }
0x6e: {  	_ =	shalt  }
0x6f: {  	_ =	shalt  }
0x70: {  	_ =	shalt  }
0x71: {  	_ =	shalt  }
0x72: {  	_ =	shalt  }
0x73: {  	_ =	shalt  }
0x74: {  	_ =	shalt  }
0x75: {  	_ =	shalt  }
0x76: {  	_ =	shalt  }
0x77: {  	_ =	shalt  }
0x78: {  	_ =	shalt  }
0x79: {  	_ =	shalt  }
0x7a: {  	_ =	shalt  }
0x7b: {  	_ =	shalt  }
0x7c: {  	_ =	shalt  }
0x7d: {  	_ =	shalt  }
0x7e: {  	_ =	shalt  }
0x7f: {  	_ =	shalt  }
0x80: {  	_ =	shalt  }
0x81: {  	_ =	shalt  }
0x82: {  	_ =	shalt  }
0x83: {  	_ =	shalt  }
0x84: {  	_ =	shalt  }
0x85: {  	_ =	shalt  }
0x86: {  	_ =	shalt  }
0x87: {  	_ =	shalt  }
.Lfunc_end0:
.L_simem_size_0:
called_computation.1_lowered:
.L_overlay_start_0:
0x88: {  	s2 =	sld [smem:$0x3FD9]  }
0x89: {  	s3 =	sld [smem:$0x3FFE];
	_ =	sdelay $0x1  }
0x8a: {  	s1 =	srdreg.scid  }
0x8b: {  	s0 =	sand.u32 $0x1, s1  }
0x8c: {  	s17 =	sshll.u32 s0, $0xA;
	s2 =	sadd.s32 s3, s2  }
0x8d: {  	s2 =	sadd.s32 s2, s17  }
0x8e: {  	[smem:$0x3FC6] =	sst s2  }
0x8f: {  	_ = 	snop  }
0x90: {  	s2 =	sld [smem:$0x3FD0];
	(tm) =	ssettm $0x1  }
0x91: {  	s18 =	sld [smem:$0x3FFB];
	_ =	sdelay $0x3  }
0x92: {  	_ =	strace s18  }
0x93: {  	s3 =	sld [smem:$0x3FFC];
	_ =	sdelay $0x3  }
0x94: {  	_ =	strace s3  }
0x95: {  	s3 =	sld [smem:$0x3FFD];
	_ =	sdelay $0x3  }
0x96: {  	_ =	strace s3  }
0x97: {  	_ =	strace $0x8FFFFFFF  }
0x98: {  	s19 =	sld [smem:$0x3FDB];
	_ =	sdelay $0x1  }
0x99: {  	s4 =	simm.s32 $_scs_section_size  }
0x9a: {  	s5 =	simm.s32 $_size__tile_overlayer_lowered;
	s6 =	simm.s32 $_tile_overlayer_lowered  }
0x9b: {  	s22 =	simm.s32 $0x1BFF;
	s21 =	sshll.u32 s6, $0x1;
	s3 =	sadd.s32 s4, s19  }
0x9c: {  	s7 =	simm.s32 $0x0;
	s20 =	sshll.u32 s5, $0x1;
	s5 =	sadd.s32 s21, s3  }
0x9d: {  	[timem:s7], [sflag:s22] =	dma.local [hbm:s5], s20  }
0x9e: {  	_ =	swait.ge [sflag:s22], s20  }
0x9f: {  	s4 =	ssub.s32 $0x0, s20;
	[sflag:s22] =	ssyncset.done $0x0  }
0xa0: {  	[sflag:s22] =	ssyncadd.s32 s4;
	_ =	sdelay $0x1  }
0xa1: {  	s23 =	simm.s32 $0x1B8B  }
0xa2: {  	_ =	swait.ge [sflag:s23], $0x1  }
0xa3: {  	[sflag:s23] =	ssyncset.done $0x0  }
0xa4: {  	s25 =	simm.s32 $0x1B8E;
	s24 =	sld [smem:$0x3FFE];
	[sflag:s23] =	ssyncadd.s32 $0xFFFFFFFF  }
0xa5: {  	s26 =	simm.s32 $execute0_lowered;
	[smem:$0x3FD2] =	sst s25  }
0xa6: {  	s5 =	sshll.u32 s26, $0x1;
	_ =	strace $0x80000046;
	[dreg:$0x1] =	wrdreg $0xFFFFFFFF  }
0xa7: {  	s28 =	simm.s32 $_size_execute0_lowered;
	s3 =	sadd.s32 s3, s5;
	[dreg:$0x0] =	wrdreg $0x0  }
0xa8: {  	s5 =	sshll.u32 s28, $0x1;
	[dreg:$0x2] =	wrdreg s3  }
0xa9: {  	[dreg:$0x3] =	wrdreg s5  }
0xaa: {  	[dreg:$0x4] =	wrdreg $0xC0  }
0xab: {  	_ =	task [dreg:s7], $0x5FFFF  }
0xac: {  	[dreg:$0x1] =	wrdreg $0xFFFFFFFF  }
0xad: {  	[dreg:$0x0] =	wrdreg $0x60  }
0xae: {  	[dreg:$0x2] =	wrdreg s24  }
0xaf: {  	[dreg:$0x3] =	wrdreg s2  }
0xb0: {  	[dreg:$0x4] =	wrdreg $0x9  }
0xb1: {  	_ =	task.clear_ibuf [dreg:s7], $0x5FFFF;
	_ =	strace $0x90000046  }
0xb2: {  	s29 =	simm.s32 $0x9;
	_ =	strace $0x80000048  }
0xb3: {  	_ =	swait.ge [sflag:s29], $0x1  }
0xb4: {  	[sflag:s29] =	ssyncadd.s32 $0xFFFFFFFF  }
0xb5: {  	_ =	strace $0x90000048  }
0xb6: {  	_ =	sfence  }
0xb7: {  	s30 =	sld [smem:$0x0];
	_ =	sdelay $0x2  }
0xb8: {  	s31 =	sshll.u32 s1, $0xD;
	s1 =	sshrl.u32 s1, $0x2  }
0xb9: {  	s3 =	sand.u32 $0x4000, s31;
	s1 =	sadd.s32 s1, s30  }
0xba: {  	s0 =	sor.u32 s3, s0;
	s1 =	sshll.u32 s1, $0x11  }
0xbb: {  	s0 =	sor.u32 s1, s0  }
0xbc: {  	s0 =	sadd.s32 $0x8F2B, s0  }
0xbd: {  	[sflag:s0] =	ssyncadd.remote.s32 $0x1  }
0xbe: {  	_ =	sfence.sel $0xFFFF  }
0xbf: {  	[dreg:$0x0] =	wrdreg $0xFFFFFFFF;
	(pc) =	sbr.abs _section_cstart, $3  }
0xc0: {  	[dreg:$0x1] =	wrdreg $0xFFFFFFFF  }
0xc1: {  	_ =	task.clear_ibuf [dreg:s7], $0x2FFFF;
	_ =	strace $0x9FFFFFFF  }
0xc2: {  	(tm) =	ssettm $0x7FFFFFFF  }
0xc3: {  	_ =	shalt  }
tec
execute0_lowered:
.L_overlay_start_1:
0x0: {  	(tag) =	ssettag $0x1  }
0x1: {  	s0 =	srdreg.scid  }
0x2: {  	s2 =	stileid.u32;
	s1 =	rddreg [dreg:$0x0]  }
0x3: {  	s9 =	rddreg [dreg:$0x1];
	s16 =	simm.s32 $0x5;
	s17 =	simm.s32 $0x400  }
0x4: {  	s18 =	simm.s32 $0x2800;
	s19 =	simm.s32 $0xA800;
	s20 =	simm.s32 $0x1  }
0x5: {  	s21 =	simm.s32 $0x3;
	s23 =	simm.s32 $0x2;
	s24 =	simm.s32 $0x4  }
0x6: {  	s29 =	simm.s32 $0x1800;
	s0 =	sand.u32 $0x1, s0;
	s2 =	sshll.u32 s2, $0x1  }
0x7: {  	s30 =	simm.s32 $0x1C00;
	s31 =	simm.s32 $0x2000;
	s5 =	sor.u32 s0, s2  }
0x8: {  	s2 =	simm.s32 $0x0;
	s0 =	ssub.s32 $0x2, s0;
	s3 =	smul.u32 $0x500, s5  }
0x9: {  	[smem:$0x7FF] =	sst s2;
	s4 =	smul.u32 $0x50000, s5;
	s7 =	sshrl.u32 s0, $0x1  }
0xa: {  	s26 =	smul.u32 $0xA000, s5;
	_ =	strace $0x80000047;
	s0 =	ssub.s32 s0, s7  }
0xb: {  	s6 =	sadd.s32 s3, s1;
	s3 =	sadd.s32 $0xA800, s1;
	s25 =	sshrl.u32 s4, $0x3  }
0xc: {  	s8 =	smax.u32 s0, $0x1;
	s28 =	sadd.s32 s9, s26;
	s1 =	simm.s32 $0x2400  }
0xd: {  	s0 =	simm.s32 $0x0;
	s4 =	sadd.s32 s9, s25;
	s5 =	sadd.s32 $0x800, s6  }
0xe: {  	s9 =	sadd.s32 $0x1000, s28;
	s11 =	sadd.s32 $0x3000, s28;
	s13 =	sadd.s32 $0x5000, s28  }
0xf: {  	s15 =	sadd.s32 $0x7000, s28;
	s6 =	sadd.s32 $0x8000, s4;
	s7 =	sadd.s32 $0x9000, s4  }
0x10: {  	s10 =	sadd.s32 $0x2000, s4;
	s12 =	sadd.s32 $0x4000, s4;
	s14 =	sadd.s32 $0x6000, s4  }
.LBB2_1:
0x11: {  	[tilespmem:s2], [sflag:$0x5] =	stream.linear.gather [hbm4b:s5+s2], $0x2800, $0x38;
	[tilespmem:$0x12800] =	vst v63  }
0x12: {  	_ =	swait.ge [sflag:s16], $0x2800  }
0x13: {  	[sflag:s16] =	ssyncset.done $0x0  }
0x14: {  	s22 =	simm.s32 $0x40;
	[sflag:s16] =	ssyncadd.s32 $0xFFFFD800  }
0x15: {  	v0 =	vld [tilespmem:s22+$0xFFFFFFC0]  }
0x16: {  	v2 =	vld [tilespmem:s22+$0xFFFFFFD0]  }
0x17: {  	v3 =	vld [tilespmem:s22+$0xFFFFFFE0]  }
0x18: {  	v10 =	vld [tilespmem:s22+$0x10];
	_ =	sdelay $0x1  }
0x19: {  	v4 =	vshll.u32 v0, $0x2;
	v5 =	vand.u32 $0xFFFFC000, v0  }
0x1a: {  	v1 =	vld [tilespmem:s22+$0xFFFFFFF0];
	v0 =	vshrl.u32 v0, $0xC;
	v6 =	vshll.u32 v2, $0x2;
	v8 =	vand.u32 $0xFFFFC000, v2  }
0x1b: {  	v2 =	vshrl.u32 v2, $0xC;
	v9 =	vshll.u32 v3, $0x2;
	v11 =	vand.u32 $0xFFFFC000, v3  }
0x1c: {  	v7 =	vld [tilespmem:s22+$0x0];
	v3 =	vshrl.u32 v3, $0xC;
	v12 =	vand.u32 $0xFFFFC000, v10;
	v4 =	vand.u32 $0x3FFC, v4  }
0x1d: {  	v0 =	vand.u32 $0x3, v0;
	v6 =	vand.u32 $0x3FFC, v6;
	v2 =	vand.u32 $0x3, v2  }
0x1e: {  	v9 =	vand.u32 $0x3FFC, v9;
	v3 =	vand.u32 $0x3, v3;
	v4 =	vor.u32 v5, v4  }
0x1f: {  	v5 =	vshll.u32 v1, $0x2;
	v6 =	vor.u32 v8, v6;
	v8 =	vor.u32 v11, v9  }
0x20: {  	v9 =	vshll.u32 v10, $0x2;
	v10 =	vshrl.u32 v10, $0xC;
	v0 =	vor.u32 v0, v4;
	v4 =	vld [tilespmem:s22+$0x20]  }
0x21: {  	v2 =	vor.u32 v2, v6;
	v3 =	vor.u32 v3, v8;
	v6 =	vshll.u32 v7, $0x2  }
0x22: {  	v11 =	vld [tilespmem:s22+$0x30];
	v8 =	vand.u32 $0xFFFFC000, v7;
	v7 =	vshrl.u32 v7, $0xC;
	v9 =	vand.u32 $0x3FFC, v9  }
0x23: {  	v5 =	vand.u32 $0x3FFC, v5;
	v6 =	vand.u32 $0x3FFC, v6;
	v7 =	vand.u32 $0x3, v7  }
0x24: {  	[tilespmem:s22+$0xFFFFFFC0] =	vst v0;
	v0 =	vor.u32 v12, v9;
	v6 =	vor.u32 v8, v6;
	v8 =	vand.u32 $0x3, v10  }
0x25: {  	s25 =	simm.s32 $0xC0;
	[tilespmem:s22+$0xFFFFFFD0] =	vst v2;
	v2 =	vor.u32 v7, v6;
	v8 =	vor.u32 v8, v0;
	v9 =	vshll.u32 v4, $0x2  }
0x26: {  	v6 =	vand.u32 $0xFFFFC000, v4;
	v0 =	vshrl.u32 v4, $0xC;
	v7 =	vand.u32 $0x3FFC, v9;
	v9 =	vld [tilespmem:s25+$0xFFFFFFC0];
	[tilespmem:s22+$0xFFFFFFE0] =	vst v3  }
0x27: {  	v4 =	vand.u32 $0x3, v0;
	v3 =	vor.u32 v6, v7;
	v6 =	vshll.u32 v11, $0x2;
	v0 =	vld [tilespmem:s25+$0xFFFFFFF0];
	[tilespmem:s22+$0x0] =	vst v2  }
0x28: {  	v7 =	vand.u32 $0xFFFFC000, v11;
	[tilespmem:s22+$0x10] =	vst v8;
	v2 =	vand.u32 $0x3FFC, v6;
	v6 =	vshrl.u32 v11, $0xC  }
0x29: {  	v3 =	vor.u32 v4, v3;
	v8 =	vld [tilespmem:s25+$0xFFFFFFE0];
	v2 =	vor.u32 v7, v2;
	v4 =	vand.u32 $0x3, v6  }
0x2a: {  	v6 =	vld [tilespmem:s25+$0xFFFFFFD0];
	v7 =	vand.u32 $0xFFFFC000, v1;
	v4 =	vor.u32 v4, v2;
	v2 =	vshrl.u32 v1, $0xC  }
0x2b: {  	v1 =	vor.u32 v7, v5;
	v5 =	vshll.u32 v9, $0x2;
	v2 =	vand.u32 $0x3, v2  }
0x2c: {  	[tilespmem:s22+$0x20] =	vst v3;
	v3 =	vand.u32 $0xFFFFC000, v9;
	v7 =	vshrl.u32 v9, $0xC;
	v5 =	vand.u32 $0x3FFC, v5  }
0x2d: {  	[tilespmem:s22+$0x30] =	vst v4;
	v4 =	vor.u32 v3, v5;
	v5 =	vand.u32 $0x3, v7;
	v3 =	vshll.u32 v0, $0x2  }
0x2e: {  	v10 =	vld [tilespmem:s25+$0x0];
	v11 =	vshll.u32 v8, $0x2;
	v13 =	vand.u32 $0xFFFFC000, v8;
	v8 =	vshrl.u32 v8, $0xC  }
0x2f: {  	v62 =	vld [tilespmem:s25+$0x10];
	v7 =	vand.u32 $0xFFFFC000, v6;
	v9 =	vshll.u32 v6, $0x2;
	v6 =	vshrl.u32 v6, $0xC  }
0x30: {  	v11 =	vand.u32 $0x3FFC, v11;
	v8 =	vand.u32 $0x3, v8;
	v9 =	vand.u32 $0x3FFC, v9  }
0x31: {  	v6 =	vand.u32 $0x3, v6;
	v7 =	vor.u32 v7, v9;
	v9 =	vor.u32 v13, v11  }
0x32: {  	v5 =	vor.u32 v5, v4;
	v11 =	vor.u32 v6, v7;
	v4 =	vor.u32 v8, v9;
	v9 =	vld [tilespmem:s25+$0x20]  }
0x33: {  	v6 =	vand.u32 $0xFFFFC000, v10;
	v7 =	vshll.u32 v10, $0x2;
	v8 =	vshrl.u32 v10, $0xC  }
0x34: {  	[tilespmem:s25+$0xFFFFFFC0] =	vst v5;
	v5 =	vld [tilespmem:s25+$0x30];
	v10 =	vshll.u32 v62, $0x2;
	v63 =	vand.u32 $0xFFFFC000, v62;
	v12 =	vshrl.u32 v62, $0xC  }
0x35: {  	v7 =	vand.u32 $0x3FFC, v7;
	v8 =	vand.u32 $0x3, v8;
	v10 =	vand.u32 $0x3FFC, v10  }
0x36: {  	v12 =	vand.u32 $0x3, v12;
	v6 =	vor.u32 v6, v7;
	v10 =	vor.u32 v63, v10  }
0x37: {  	v7 =	vor.u32 v8, v6;
	v6 =	vor.u32 v12, v10;
	v10 =	vshll.u32 v9, $0x2  }
0x38: {  	s26 =	simm.s32 $0x8;
	s28 =	simm.s32 $0x140;
	[tilespmem:s25+$0xFFFFFFD0] =	vst v11;
	v8 =	vand.u32 $0xFFFFC000, v9;
	v9 =	vshrl.u32 v9, $0xC;
	v10 =	vand.u32 $0x3FFC, v10  }
.LBB2_2:
0x39: {  	v11 =	vld [tilespmem:s28+$0xFFFFFFC0];
	[tilespmem:s25+$0xFFFFFFE0] =	vst v4;
	v4 =	vor.u32 v8, v10;
	v8 =	vand.u32 $0x3, v9;
	v9 =	vshll.u32 v5, $0x2  }
0x3a: {  	v10 =	vld [tilespmem:s28+$0xFFFFFFF0];
	[tilespmem:s25+$0x0] =	vst v7;
	v7 =	vand.u32 $0xFFFFC000, v5;
	v9 =	vand.u32 $0x3FFC, v9;
	v5 =	vshrl.u32 v5, $0xC  }
0x3b: {  	v4 =	vor.u32 v8, v4;
	[tilespmem:s25+$0x10] =	vst v6;
	v6 =	vor.u32 v7, v9;
	v5 =	vand.u32 $0x3, v5  }
0x3c: {  	v3 =	vand.u32 $0x3FFC, v3;
	v8 =	vand.u32 $0xFFFFC000, v0;
	v7 =	vld [tilespmem:s28+$0xFFFFFFD0];
	[tilespmem:s25+$0x20] =	vst v4;
	v4 =	vor.u32 v5, v6  }
0x3d: {  	v9 =	vshrl.u32 v0, $0xC;
	v5 =	vld [tilespmem:s28+$0xFFFFFFE0];
	[tilespmem:s25+$0x30] =	vst v4;
	v4 =	vor.u32 v2, v1;
	v1 =	vor.u32 v8, v3  }
0x3e: {  	v2 =	vand.u32 $0x3, v9;
	v3 =	vshll.u32 v11, $0x2;
	[tilespmem:s22+$0xFFFFFFF0] =	vst v4;
	s22 =	smov.u32 s25;
	s25 =	smov.u32 s28  }
0x3f: {  	v4 =	vand.u32 $0xFFFFC000, v11;
	v6 =	vshrl.u32 v11, $0xC;
	v3 =	vand.u32 $0x3FFC, v3;
	v0 =	vmovc v10  }
0x40: {  	v6 =	vand.u32 $0x3, v6;
	v4 =	vor.u32 v4, v3;
	v3 =	vshll.u32 v0, $0x2  }
0x41: {  	v8 =	vand.u32 $0xFFFFC000, v7;
	v9 =	vshll.u32 v7, $0x2;
	v7 =	vshrl.u32 v7, $0xC;
	v10 =	vld [tilespmem:s28+$0x0]  }
0x42: {  	v9 =	vand.u32 $0x3FFC, v9;
	v7 =	vand.u32 $0x3, v7;
	v11 =	vshll.u32 v5, $0x2;
	v12 =	vld [tilespmem:s28+$0x10]  }
0x43: {  	v13 =	vand.u32 $0xFFFFC000, v5;
	v5 =	vshrl.u32 v5, $0xC;
	v11 =	vand.u32 $0x3FFC, v11  }
0x44: {  	v8 =	vor.u32 v8, v9;
	v5 =	vand.u32 $0x3, v5;
	v9 =	vor.u32 v13, v11  }
0x45: {  	s26 =	sadd.s32 $0x8, s26;
	v6 =	vor.u32 v6, v4;
	v8 =	vor.u32 v7, v8;
	v4 =	vor.u32 v5, v9;
	v9 =	vld [tilespmem:s28+$0x20]  }
0x46: {  	p0 =	slt.u32 s26, $0x278;
	v7 =	vand.u32 $0xFFFFC000, v10;
	v5 =	vshll.u32 v10, $0x2;
	v10 =	vshrl.u32 v10, $0xC  }
.Ltmp0:
0x47: {  	v11 =	vand.u32 $0x3FFC, v5;
	v10 =	vand.u32 $0x3, v10;
	v13 =	vshll.u32 v12, $0x2;
	v5 =	vld [tilespmem:s28+$0x30];
	(pc) =	sbr.rel @p0 .LBB2_2-.Ltmp0, $4  }
0x48: {  	v14 =	vand.u32 $0xFFFFC000, v12;
	v12 =	vshrl.u32 v12, $0xC;
	v13 =	vand.u32 $0x3FFC, v13  }
0x49: {  	v7 =	vor.u32 v7, v11;
	v12 =	vand.u32 $0x3, v12;
	v11 =	vor.u32 v14, v13  }
0x4a: {  	v7 =	vor.u32 v10, v7;
	[tilespmem:s28+$0xFFFFFFC0] =	vst v6;
	v6 =	vor.u32 v12, v11;
	v10 =	vshll.u32 v9, $0x2  }
0x4b: {  	s28 =	sadd.s32 $0x80, s28;
	[tilespmem:s25+$0xFFFFFFD0] =	vst v8;
	v8 =	vand.u32 $0xFFFFC000, v9;
	v10 =	vand.u32 $0x3FFC, v10;
	v9 =	vshrl.u32 v9, $0xC  }
0x4c: {  	v8 =	vor.u32 v8, v10  }
0x4d: {  	[tilespmem:s25+$0xFFFFFFE0] =	vst v4;
	v54 =	vand.u32 $0x3, v9;
	v55 =	vshll.u32 v5, $0x2;
	v56 =	vand.u32 $0xFFFFC000, v5  }
0x4e: {  	[tilespmem:s25+$0x0] =	vst v7;
	v58 =	vshrl.u32 v5, $0xC;
	v60 =	vand.u32 $0xFFFFC000, v0;
	v3 =	vand.u32 $0x3FFC, v3  }
0x4f: {  	[tilespmem:s25+$0x10] =	vst v6;
	v61 =	vshrl.u32 v0, $0xC;
	v57 =	vand.u32 $0x3FFC, v55;
	v4 =	vor.u32 v54, v8  }
0x50: {  	v1 =	vor.u32 v2, v1;
	v5 =	vand.u32 $0x3, v58;
	v59 =	vor.u32 v56, v57;
	[tilespmem:s25+$0x20] =	vst v4  }
0x51: {  	v63 =	vor.u32 v60, v3;
	v0 =	vand.u32 $0x3, v61;
	[tilespmem:s22+$0xFFFFFFF0] =	vst v1;
	v62 =	vor.u32 v5, v59  }
0x52: {  	v0 =	vor.u32 v0, v63;
	[tilespmem:s25+$0x30] =	vst v62  }
0x53: {  	[tilespmem:s25+$0xFFFFFFF0] =	vst v0  }
0x54: {  	[tilespmem:s18], [sflag:$0x1] =	stream.indirect.gather [hbm4b:s3+s17], $0x20, s2, s17, $0xb8;
	[tilespmem:$0x12800] =	vst v63  }
0x55: {  	_ = 	snop  }
0x56: {  	[tilespmem:s19], [sflag:$0x2] =	stream.indirect.gather [hbm4b:s3+s17], $0x20, s17, s17, $0xb8;
	[tilespmem:$0x12800] =	vst v63  }
0x57: {  	_ =	swait.ge [sflag:s20], $0x8000  }
0x58: {  	[sflag:s20] =	ssyncset.done $0x0  }
0x59: {  	[sflag:s20] =	ssyncadd.s32 $0xFFFF8000  }
0x5a: {  	[hbm4b:s4+s2] =	stream.linear.scatter [tilespmem:s18], [sflag:$0x3], $0x8000, $0x38;
	[tilespmem:$0x12800] =	vst v63  }
0x5b: {  	_ =	swait.ge [sflag:s21], $0x8000  }
0x5c: {  	[sflag:s21] =	ssyncset.done $0x0  }
0x5d: {  	s28 =	simm.s32 $0x800;
	[sflag:s21] =	ssyncadd.s32 $0xFFFF8000  }
0x5e: {  	[tilespmem:s18], [sflag:$0x1] =	stream.indirect.gather [hbm4b:s3+s17], $0x20, s28, s17, $0xb8;
	[tilespmem:$0x12800] =	vst v63  }
0x5f: {  	_ =	swait.ge [sflag:s23], $0x8000  }
0x60: {  	[sflag:s23] =	ssyncset.done $0x0  }
0x61: {  	[sflag:s23] =	ssyncadd.s32 $0xFFFF8000  }
0x62: {  	[hbm4b:s9+s2] =	stream.linear.scatter [tilespmem:s19], [sflag:$0x4], $0x8000, $0x38;
	[tilespmem:$0x12800] =	vst v63  }
0x63: {  	_ =	swait.ge [sflag:s24], $0x8000  }
0x64: {  	[sflag:s24] =	ssyncset.done $0x0  }
0x65: {  	s25 =	simm.s32 $0xC00;
	[sflag:s24] =	ssyncadd.s32 $0xFFFF8000  }
0x66: {  	[tilespmem:s19], [sflag:$0x2] =	stream.indirect.gather [hbm4b:s3+s17], $0x20, s25, s17, $0xb8;
	[tilespmem:$0x12800] =	vst v63  }
0x67: {  	_ =	swait.ge [sflag:s20], $0x8000  }
0x68: {  	[sflag:s20] =	ssyncset.done $0x0  }
0x69: {  	[sflag:s20] =	ssyncadd.s32 $0xFFFF8000  }
0x6a: {  	[hbm4b:s10+s2] =	stream.linear.scatter [tilespmem:s18], [sflag:$0x3], $0x8000, $0x38;
	[tilespmem:$0x12800] =	vst v63  }
0x6b: {  	_ =	swait.ge [sflag:s21], $0x8000  }
0x6c: {  	[sflag:s21] =	ssyncset.done $0x0  }
0x6d: {  	s26 =	simm.s32 $0x1000;
	[sflag:s21] =	ssyncadd.s32 $0xFFFF8000  }
0x6e: {  	[tilespmem:s18], [sflag:$0x1] =	stream.indirect.gather [hbm4b:s3+s17], $0x20, s26, s17, $0xb8;
	[tilespmem:$0x12800] =	vst v63  }
0x6f: {  	_ =	swait.ge [sflag:s23], $0x8000  }
0x70: {  	[sflag:s23] =	ssyncset.done $0x0  }
0x71: {  	[sflag:s23] =	ssyncadd.s32 $0xFFFF8000  }
0x72: {  	[hbm4b:s11+s2] =	stream.linear.scatter [tilespmem:s19], [sflag:$0x4], $0x8000, $0x38;
	[tilespmem:$0x12800] =	vst v63  }
0x73: {  	_ =	swait.ge [sflag:s24], $0x8000  }
0x74: {  	[sflag:s24] =	ssyncset.done $0x0  }
0x75: {  	s28 =	simm.s32 $0x1400;
	[sflag:s24] =	ssyncadd.s32 $0xFFFF8000  }
0x76: {  	[tilespmem:s19], [sflag:$0x2] =	stream.indirect.gather [hbm4b:s3+s17], $0x20, s28, s17, $0xb8;
	[tilespmem:$0x12800] =	vst v63  }
0x77: {  	_ =	swait.ge [sflag:s20], $0x8000  }
0x78: {  	[sflag:s20] =	ssyncset.done $0x0  }
0x79: {  	[sflag:s20] =	ssyncadd.s32 $0xFFFF8000  }
0x7a: {  	[hbm4b:s12+s2] =	stream.linear.scatter [tilespmem:s18], [sflag:$0x3], $0x8000, $0x38;
	[tilespmem:$0x12800] =	vst v63  }
0x7b: {  	_ =	swait.ge [sflag:s21], $0x8000  }
0x7c: {  	[sflag:s21] =	ssyncset.done $0x0  }
0x7d: {  	[sflag:s21] =	ssyncadd.s32 $0xFFFF8000  }
0x7e: {  	[tilespmem:s18], [sflag:$0x1] =	stream.indirect.gather [hbm4b:s3+s17], $0x20, s29, s17, $0xb8;
	[tilespmem:$0x12800] =	vst v63  }
0x7f: {  	_ =	swait.ge [sflag:s23], $0x8000  }
0x80: {  	[sflag:s23] =	ssyncset.done $0x0  }
0x81: {  	[sflag:s23] =	ssyncadd.s32 $0xFFFF8000  }
0x82: {  	[hbm4b:s13+s2] =	stream.linear.scatter [tilespmem:s19], [sflag:$0x4], $0x8000, $0x38;
	[tilespmem:$0x12800] =	vst v63  }
0x83: {  	_ =	swait.ge [sflag:s24], $0x8000  }
0x84: {  	[sflag:s24] =	ssyncset.done $0x0  }
0x85: {  	[sflag:s24] =	ssyncadd.s32 $0xFFFF8000  }
0x86: {  	[tilespmem:s19], [sflag:$0x2] =	stream.indirect.gather [hbm4b:s3+s17], $0x20, s30, s17, $0xb8;
	[tilespmem:$0x12800] =	vst v63  }
0x87: {  	_ =	swait.ge [sflag:s20], $0x8000  }
0x88: {  	[sflag:s20] =	ssyncset.done $0x0  }
0x89: {  	[sflag:s20] =	ssyncadd.s32 $0xFFFF8000  }
0x8a: {  	[hbm4b:s14+s2] =	stream.linear.scatter [tilespmem:s18], [sflag:$0x3], $0x8000, $0x38;
	[tilespmem:$0x12800] =	vst v63  }
0x8b: {  	_ =	swait.ge [sflag:s21], $0x8000  }
0x8c: {  	[sflag:s21] =	ssyncset.done $0x0  }
0x8d: {  	[sflag:s21] =	ssyncadd.s32 $0xFFFF8000  }
0x8e: {  	[tilespmem:s18], [sflag:$0x1] =	stream.indirect.gather [hbm4b:s3+s17], $0x20, s31, s17, $0xb8;
	[tilespmem:$0x12800] =	vst v63  }
0x8f: {  	_ =	swait.ge [sflag:s23], $0x8000  }
0x90: {  	[sflag:s23] =	ssyncset.done $0x0  }
0x91: {  	[sflag:s23] =	ssyncadd.s32 $0xFFFF8000  }
0x92: {  	[hbm4b:s15+s2] =	stream.linear.scatter [tilespmem:s19], [sflag:$0x4], $0x8000, $0x38;
	[tilespmem:$0x12800] =	vst v63  }
0x93: {  	_ =	swait.ge [sflag:s24], $0x8000  }
0x94: {  	[sflag:s24] =	ssyncset.done $0x0  }
0x95: {  	[sflag:s24] =	ssyncadd.s32 $0xFFFF8000  }
0x96: {  	[tilespmem:s19], [sflag:$0x2] =	stream.indirect.gather [hbm4b:s3+s17], $0x20, s1, s17, $0xb8;
	[tilespmem:$0x12800] =	vst v63  }
0x97: {  	_ =	swait.ge [sflag:s20], $0x8000  }
0x98: {  	[sflag:s20] =	ssyncset.done $0x0  }
0x99: {  	[sflag:s20] =	ssyncadd.s32 $0xFFFF8000  }
0x9a: {  	[hbm4b:s6+s2] =	stream.linear.scatter [tilespmem:s18], [sflag:$0x3], $0x8000, $0x38;
	[tilespmem:$0x12800] =	vst v63  }
0x9b: {  	_ =	swait.ge [sflag:s23], $0x8000  }
0x9c: {  	[sflag:s23] =	ssyncset.done $0x0  }
0x9d: {  	s0 =	sadd.s32 $0x1, s0;
	[sflag:s23] =	ssyncadd.s32 $0xFFFF8000  }
0x9e: {  	[hbm4b:s7+s2] =	stream.linear.scatter [tilespmem:s19], [sflag:$0x4], $0x8000, $0x38;
	[tilespmem:$0x12800] =	vst v63  }
0x9f: {  	p0 =	sne.s32 s0, s8;
	_ =	swait.ge [sflag:s21], $0x8000  }
.Ltmp1:
0xa0: {  	[sflag:s21] =	ssyncset.done $0x0;
	(pc) =	sbr.rel @p0 .LBB2_1-.Ltmp1, $4  }
0xa1: {  	[sflag:s21] =	ssyncadd.s32 $0xFFFF8000  }
0xa2: {  	_ =	swait.ge [sflag:s24], $0x8000  }
0xa3: {  	[sflag:s24] =	ssyncset.done $0x0  }
0xa4: {  	[sflag:s24] =	ssyncadd.s32 $0xFFFF8000  }
0xa5: {  	_ =	sfence.sel $0x180000  }
0xa6: {  	[bflag:$0x0] =	sbarrier.arrive $0xFFFF  }
0xa7: {  	_ =	strace $0x90000047  }
0xa8: {  	s0 =	stileid.u32;
	[bflag:$0x2] =	sbarrier.arrive $0xFFFF  }
0xa9: {  	p0 =	sne.s32 s0, $0x0;
	s0 =	rddreg [dreg:$0x2]  }
0xaa: {  	s0 =	sadd.s32 @!p0 $0x100000, s0  }
0xab: {  	[sflag:s0] =	ssyncadd.tile.s32 @!p0 $0x1;
	_ =	shalt  }
.Lfunc_end2:
_tile_overlayer_lowered:
.L_overlay_start_2:
0xac: {  	(tag) =	ssettag $0x2  }
0xad: {  	s0 =	rddreg [dreg:$0x0];
	s2 =	stileid.u32  }
0xae: {  	s1 =	rddreg [dreg:$0x1];
	p0 =	sne.s32 s2, $0x0  }
0xaf: {  	s3 =	rddreg [dreg:$0x2];
	[bflag:$0x3] =	sbarrier.arrive $0xFFFF;
	s2 =	simm.s32 @!p0 $0x1C05  }
0xb0: {  	[timem:s3], [sflag:s2] =	dma.local @!p0 [hbm:s0], s1  }
0xb1: {  	s0 =	simm.s32 @!p0 $0x5  }
0xb2: {  	_ =	swait.ge @!p0 [sflag:s0], s1  }
0xb3: {  	s1 =	ssub.s32 @!p0 $0x0, s1;
	[sflag:s0] =	ssyncset.done @!p0 $0x0  }
0xb4: {  	[sflag:s0] =	ssyncadd.s32 @!p0 s1  }
0xb5: {  	[bflag:$0x3] =	sbarrier.arrive $0xFFFF  }
0xb6: {  	_ =	shalt  }

// kernel: sparse-core-data-format-call.cloned.1.call-start
scs
called_computation_lowered:
.L_overlay_start_0:
0x0: {  	s2 =	sld [smem:$0x3FD9]  }
0x1: {  	s3 =	sld [smem:$0x3FFE];
	_ =	sdelay $0x1  }
0x2: {  	s1 =	srdreg.scid  }
0x3: {  	s0 =	sand.u32 $0x1, s1  }
0x4: {  	s18 =	sshll.u32 s0, $0xA;
	s2 =	sadd.s32 s3, s2  }
0x5: {  	s2 =	sadd.s32 s2, s18  }
0x6: {  	[smem:$0x3FC6] =	sst s2  }
0x7: {  	_ = 	snop  }
0x8: {  	s2 =	sld [smem:$0x3FD0];
	(tm) =	ssettm $0x1  }
0x9: {  	s19 =	sld [smem:$0x3FFB];
	_ =	sdelay $0x3  }
0xa: {  	_ =	strace s19  }
0xb: {  	s3 =	sld [smem:$0x3FFC];
	_ =	sdelay $0x3  }
0xc: {  	_ =	strace s3  }
0xd: {  	s3 =	sld [smem:$0x3FFD];
	_ =	sdelay $0x3  }
0xe: {  	_ =	strace s3  }
0xf: {  	_ =	strace $0x8FFFFFFF  }
0x10: {  	s20 =	sld [smem:$0x3FDB];
	_ =	sdelay $0x1  }
0x11: {  	s4 =	simm.s32 $_scs_section_size  }
0x12: {  	s5 =	simm.s32 $_size__tile_overlayer_lowered;
	s6 =	simm.s32 $_tile_overlayer_lowered  }
0x13: {  	s23 =	simm.s32 $0x1BFF;
	s22 =	sshll.u32 s6, $0x1;
	s3 =	sadd.s32 s4, s20  }
0x14: {  	s7 =	simm.s32 $0x0;
	s21 =	sshll.u32 s5, $0x1;
	s5 =	sadd.s32 s22, s3  }
0x15: {  	[timem:s7], [sflag:s23] =	dma.local [hbm:s5], s21  }
0x16: {  	_ =	swait.ge [sflag:s23], s21  }
0x17: {  	s4 =	ssub.s32 $0x0, s21;
	[sflag:s23] =	ssyncset.done $0x0  }
0x18: {  	[sflag:s23] =	ssyncadd.s32 s4;
	_ =	sdelay $0x1  }
0x19: {  	s24 =	simm.s32 $0x1B8B  }
0x1a: {  	_ =	swait.ge [sflag:s24], $0x1  }
0x1b: {  	[sflag:s24] =	ssyncset.done $0x0  }
0x1c: {  	s26 =	simm.s32 $0x1B8E;
	s25 =	sld [smem:$0x3FFE];
	[sflag:s24] =	ssyncadd.s32 $0xFFFFFFFF  }
0x1d: {  	s27 =	simm.s32 $execute0_lowered;
	[smem:$0x3FD2] =	sst s26  }
0x1e: {  	s5 =	sshll.u32 s27, $0x1;
	_ =	strace $0x80000049;
	[dreg:$0x1] =	wrdreg $0xFFFFFFFF  }
0x1f: {  	s28 =	simm.s32 $_size_execute0_lowered;
	s3 =	sadd.s32 s3, s5;
	[dreg:$0x0] =	wrdreg $0x0  }
0x20: {  	s5 =	sshll.u32 s28, $0x1;
	[dreg:$0x2] =	wrdreg s3  }
0x21: {  	[dreg:$0x3] =	wrdreg s5  }
0x22: {  	[dreg:$0x4] =	wrdreg $0xC0  }
0x23: {  	_ =	task [dreg:s7], $0x5FFFF  }
0x24: {  	[dreg:$0x1] =	wrdreg $0xFFFFFFFF  }
0x25: {  	[dreg:$0x0] =	wrdreg $0x60  }
0x26: {  	[dreg:$0x2] =	wrdreg s25  }
0x27: {  	[dreg:$0x3] =	wrdreg s2  }
0x28: {  	[dreg:$0x4] =	wrdreg $0x9  }
0x29: {  	_ =	task.clear_ibuf [dreg:s7], $0x5FFFF;
	_ =	strace $0x90000049  }
0x2a: {  	s29 =	simm.s32 $0x9;
	_ =	strace $0x8000004B  }
0x2b: {  	_ =	swait.ge [sflag:s29], $0x1  }
0x2c: {  	[sflag:s29] =	ssyncadd.s32 $0xFFFFFFFF  }
0x2d: {  	_ =	strace $0x9000004B  }
0x2e: {  	_ =	sfence  }
0x2f: {  	s30 =	sld [smem:$0x0];
	_ =	sdelay $0x2  }
0x30: {  	s31 =	sshll.u32 s1, $0xD;
	s1 =	sshrl.u32 s1, $0x2  }
0x31: {  	s3 =	sand.u32 $0x4000, s31;
	s1 =	sadd.s32 s1, s30  }
0x32: {  	s0 =	sor.u32 s3, s0;
	s1 =	sshll.u32 s1, $0x11  }
0x33: {  	s0 =	sor.u32 s1, s0  }
0x34: {  	s0 =	sadd.s32 $0x8F2B, s0  }
0x35: {  	[sflag:s0] =	ssyncadd.remote.s32 $0x1  }
0x36: {  	_ =	sfence.sel $0xFFFF  }
0x37: {  	[dreg:$0x0] =	wrdreg $0xFFFFFFFF;
	(pc) =	sbr.abs _section_cstart, $3  }
0x38: {  	[dreg:$0x1] =	wrdreg $0xFFFFFFFF  }
0x39: {  	_ =	task.clear_ibuf [dreg:s7], $0x2FFFF;
	_ =	strace $0x9FFFFFFF  }
0x3a: {  	(tm) =	ssettm $0x7FFFFFFF  }
0x3b: {  	_ =	shalt  }
tec
execute0_lowered:
.L_overlay_start_1:
0x0: {  	(tag) =	ssettag $0x1  }
0x1: {  	s0 =	srdreg.scid  }
0x2: {  	s1 =	sshll.u32 s0, $0x4  }
0x3: {  	s9 =	rddreg [dreg:$0x0];
	s0 =	stileid.u32;
	s1 =	sand.u32 $0x10, s1  }
0x4: {  	s3 =	rddreg [dreg:$0x1];
	s5 =	simm.s32 $0x1;
	s1 =	sor.u32 s0, s1  }
0x5: {  	s7 =	simm.s32 $0x2;
	s15 =	simm.s32 $0x0;
	s2 =	sshll.u32 s1, $0x7  }
0x6: {  	s11 =	simm.s32 $0x20000;
	s16 =	simm.s32 $0x0;
	s4 =	ssub.s32 $0x4000, s2  }
0x7: {  	s13 =	simm.s32 $0x0;
	s14 =	simm.s32 $0x0;
	s31 =	sand.u32 $0xF80, s4  }
0x8: {  	s8 =	sadd.s32 $0x80800, s9;
	s1 =	rddreg [dreg:$0x2];
	p0 =	sne.s32 s31, $0x0  }
.Ltmp0:
0x9: {  	s6 =	sshrl.u32 s4, $0xC;
	s5 =	simm.s32 @!p0 $0x0;
	(pc) =	sbr.rel .LBB1_1-.Ltmp0, $4  }
0xa: {  	_ =	strace $0x8000004A;
	s4 =	simm.s32 $0x1;
	s5 =	sadd.s32 s5, s6  }
0xb: {  	s12 =	smov.u32 s2;
	[sflag:s4] =	ssyncpa.u1 $0x0;
	s5 =	smul.u32 $0x5, s5  }
0xc: {  	[sflag:s7] =	ssyncpa.u1 $0x0;
	s7 =	sadd.s32 $0x40800, s9;
	p0 =	por $0x0, $0x0  }
0xd: {  	s6 =	sadd.s32 $0x800, s9;
	s9 =	sadd.s32 $0xC0800, s9;
	s10 =	sadd.s32 $0x1, s5  }
.LBB1_7:
0xe: {  	s17 =	sadd.s32 $0x1000, s12  }
0xf: {  	s15 =	sadd.s32 $0x4, s13;
	s19 =	smov.u32 s13;
	p2 =	sgt.s32 s17, $0x3FFF  }
0x10: {  	s19 =	smov.u32 @p2 s15  }
0x11: {  	s17 =	smov.u32 @p2 s2;
	p2 =	sgt.s32 s19, $0x13  }
0x12: {  	s19 =	simm.s32 @p2 $0x0;
	p2 =	sne.s32 s14, s10  }
.Ltmp1:
0x13: {  	p1 =	slt.u32 s14, $0x2;
	(pc) =	sbr.rel @!p2 .LBB1_8-.Ltmp1, $4  }
0x14: {  	s18 =	simm.s32 @!p1 $0x2  }
0x15: {  	s16 =	smov.u32 s13;
	p0 =	por !p0, !p0;
	_ =	swait.ge @!p1 [sflag:s18], $0x4000  }
0x16: {  	s15 =	smov.u32 s12;
	[sflag:s18] =	ssyncset.done @!p1 $0x0;
	s12 =	smov.u32 s17  }
0x17: {  	s14 =	sadd.s32 $0x1, s14;
	[sflag:s18] =	ssyncadd.s32 @!p1 $0xFFFFC000;
	s13 =	smov.u32 s19  }
.LBB1_1:
0x18: {  	p1 =	sge.u32 s14, s5  }
0x19: {  	s17 =	sxor.u32 @!p1 $0xFFFFFFFF, s14  }
0x1a: {  	s18 =	sshll.u32 @!p1 s13, $0x12;
	s19 =	sshll.u32 @!p1 s12, $0x4;
	s21 =	simm.s32 @!p1 $0x20  }
0x1b: {  	s17 =	sshll.u32 @!p1 s17, $0xE;
	s19 =	sand.u32 @!p1 $0x3FFF0, s19;
	s20 =	sadd.s32 @!p1 s6, s18  }
0x1c: {  	s22 =	simm.s32 @!p1 $0x80;
	s17 =	sand.u32 @!p1 $0x4000, s17;
	s20 =	sadd.s32 @!p1 s19, s20  }
0x1d: {  	[tilespmem:s17], [sflag:$0x1] =	stream.strided.gather @!p1 [hbm4b:s20+s21], $0x1000, s22, s21, $0x38;
	[tilespmem:$0x10100] =	vst v63  }
0x1e: {  	s20 =	sadd.s32 @!p1 s18, s7  }
0x1f: {  	s23 =	sor.u32 @!p1 $0x1000, s17;
	s20 =	sadd.s32 @!p1 s19, s20  }
0x20: {  	[tilespmem:s23], [sflag:$0x1] =	stream.strided.gather @!p1 [hbm4b:s20+s21], $0x1000, s22, s21, $0x38;
	[tilespmem:$0x10100] =	vst v63  }
0x21: {  	s20 =	sadd.s32 @!p1 s18, s8  }
0x22: {  	s23 =	sor.u32 @!p1 $0x2000, s17;
	s18 =	sadd.s32 @!p1 s18, s9;
	s20 =	sadd.s32 @!p1 s19, s20  }
0x23: {  	[tilespmem:s23], [sflag:$0x1] =	stream.strided.gather @!p1 [hbm4b:s20+s21], $0x1000, s22, s21, $0x38;
	[tilespmem:$0x10100] =	vst v63  }
0x24: {  	s31 =	sadd.s32 $0xFFFFFFFF, s14;
	s17 =	sor.u32 @!p1 $0x3000, s17;
	s18 =	sadd.s32 @!p1 s19, s18  }
0x25: {  	[tilespmem:s17], [sflag:$0x1] =	stream.strided.gather @!p1 [hbm4b:s18+s21], $0x1000, s22, s21, $0x38;
	[tilespmem:$0x10100] =	vst v63  }
0x26: {  	p1 =	sge.u32 s31, s5  }
.Ltmp2:
0x27: {  	_ = 	snop;
	(pc) =	sbr.rel @p1 .LBB1_7-.Ltmp2, $1  }
0x28: {  	_ =	sdelay $0x3  }
0x29: {  	s17 =	simm.s32 $0x1;
	s19 =	sand.u32 $0x1, s14  }
0x2a: {  	_ =	swait.ge [sflag:s4], $0x4000;
	s17 =	simm.s32 @!p0 $0x0;
	s20 =	smul.u32 $0x10200, s19  }
0x2b: {  	[sflag:s4] =	ssyncset.done $0x0;
	s18 =	smul.u32 $0x10200, s17  }
0x2c: {  	s17 =	sshll.u32 s17, $0xE;
	[sflag:s4] =	ssyncadd.s32 $0xFFFFC000  }
0x2d: {  	s19 =	sor.u32 $0x10, s17;
	s31 =	sshrl.u32 s20, $0x2;
	s18 =	sshrl.u32 s18, $0x2  }
0x2e: {  	s20 =	simm.s32 $0x0;
	s17 =	sor.u32 $0x8000, s31;
	s18 =	sor.u32 $0x8000, s18  }
.LBB1_3:
0x2f: {  	v1 =	vld [tilespmem:s19+$0x0]  }
0x30: {  	v0 =	vld [tilespmem:s19+$0xFFFFFFF0];
	_ =	sdelay $0x2  }
0x31: {  	s23 =	sadd.s32 $0x0, s18  }
0x32: {  	s21 =	simm.s32 $0x4;
	s22 =	sadd.s32 $0x20, s19;
	[tilespmem:s23+$0x810 ss:$0x81] =	vst.msk $0xffff, v1  }
.LBB1_4:
0x33: {  	v1 =	vld [tilespmem:s22+$0x0];
	p1 =	sne.s32 s21, $0x1FC;
	[tilespmem:s23+$0x0 ss:$0x81] =	vst.msk $0xffff, v0;
	s23 =	smov.u32 s21;
	s21 =	sadd.s32 $0x4, s21  }
.Ltmp3:
0x34: {  	v0 =	vld [tilespmem:s22+$0xFFFFFFF0];
	(pc) =	sbr.rel @p1 .LBB1_4-.Ltmp3, $4  }
0x35: {  	_ = 	snop  }
0x36: {  	s23 =	sshra.s32 s23, $0x2  }
0x37: {  	s23 =	sadd.s32 s23, s18  }
0x38: {  	s22 =	sadd.s32 $0x20, s22;
	[tilespmem:s23+$0x810 ss:$0x81] =	vst.msk $0xffff, v1  }
0x39: {  	s20 =	sadd.s32 $0x1, s20  }
0x3a: {  	p1 =	sne.s32 s20, $0x4  }
.Ltmp4:
0x3b: {  	_ = 	snop;
	(pc) =	sbr.rel @p1 .LBB1_3-.Ltmp4, $2  }
0x3c: {  	_ =	sdelay $0x2  }
0x3d: {  	[tilespmem:s23+$0x0 ss:$0x81] =	vst.msk $0xffff, v0;
	s18 =	sadd.s32 $0x1020, s18;
	s19 =	sadd.s32 $0x1000, s19  }
0x3e: {  	s18 =	sshll.u32 s15, $0x3;
	s19 =	sand.u32 $0x78, s15;
	s16 =	sshll.u32 s16, $0x10  }
.Ltmp5:
0x3f: {  	s30 =	sand.u32 $0xF800, s15;
	s18 =	sand.u32 $0x3C00, s18;
	(pc) =	sbr.rel .LBB1_7-.Ltmp5, $4  }
0x40: {  	s31 =	sand.u32 $0x7, s15;
	s16 =	sadd.s32 s3, s16;
	s18 =	sor.u32 s19, s18  }
0x41: {  	s15 =	sshll.u32 s31, $0x12;
	s16 =	sadd.s32 s30, s16;
	s18 =	sshrl.u32 s18, $0x3  }
0x42: {  	s15 =	sor.u32 $0x400, s15;
	s16 =	sadd.s32 s18, s16  }
0x43: {  	[hbm4b:s16+s15] =	stream.strided.scatter [tilespmem:s17], [sflag:$0x2], $0x4000, s11, s15, $0x20;
	[tilespmem:$0x10100] =	vst v63  }
.LBB1_8:
0x44: {  	_ =	sfence.sel $0x180000  }
0x45: {  	s2 =	simm.s32 $0x1;
	[bflag:$0x0] =	sbarrier.arrive $0xFFFF  }
0x46: {  	s31 =	simm.s32 $0x2;
	[sflag:s2] =	ssyncpa.u1 $0x1  }
0x47: {  	[sflag:s31] =	ssyncpa.u1 $0x1  }
0x48: {  	p0 =	sne.s32 s0, $0x0;
	_ =	strace $0x9000004A  }
0x49: {  	s0 =	sadd.s32 @!p0 $0x100000, s1;
	[bflag:$0x2] =	sbarrier.arrive $0xFFFF  }
0x4a: {  	[sflag:s0] =	ssyncadd.tile.s32 @!p0 $0x1;
	_ =	shalt  }
.Lfunc_end1:
_tile_overlayer_lowered:
.L_overlay_start_2:
0x4b: {  	(tag) =	ssettag $0x2  }
0x4c: {  	s0 =	rddreg [dreg:$0x0];
	s2 =	stileid.u32  }
0x4d: {  	s1 =	rddreg [dreg:$0x1];
	p0 =	sne.s32 s2, $0x0  }
0x4e: {  	s3 =	rddreg [dreg:$0x2];
	[bflag:$0x3] =	sbarrier.arrive $0xFFFF;
	s2 =	simm.s32 @!p0 $0x1C01  }
0x4f: {  	[timem:s3], [sflag:s2] =	dma.local @!p0 [hbm:s0], s1  }
0x50: {  	s0 =	simm.s32 @!p0 $0x1  }
0x51: {  	_ =	swait.ge @!p0 [sflag:s0], s1  }
0x52: {  	s1 =	ssub.s32 @!p0 $0x0, s1;
	[sflag:s0] =	ssyncset.done @!p0 $0x0  }
0x53: {  	[sflag:s0] =	ssyncadd.s32 @!p0 s1  }
0x54: {  	[bflag:$0x3] =	sbarrier.arrive $0xFFFF  }
0x55: {  	_ =	shalt  }

</sc_bundles>
